<compile_context>
chip_gen: v7x
topology: tpu7x:2x2x1
jax: 0.10.2.dev20260603
libtpu: 0.0.44.dev20260713+nightly
codegen_flags: <defaults>
</compile_context>

<pallas_src>
import functools

import jax
import jax.numpy as jnp
from jax import lax
from jax.experimental import pallas as pl
from jax.experimental.pallas import tpu as pltpu
from jax.experimental.pallas import tpu_sc as plsc

_NC = 2
_NS = 16
_NW = _NC * _NS

_GATHER_CHUNK = 128


def _make_gather(n_rows, d):
    rows_per_w = n_rows // _NW
    n_chunks = rows_per_w // _GATHER_CHUNK
    mesh = plsc.VectorSubcoreMesh(core_axis_name="c", subcore_axis_name="s")

    @functools.partial(
        pl.kernel,
        mesh=mesh,
        out_type=jax.ShapeDtypeStruct((n_rows, d), jnp.float32),
        compiler_params=pltpu.CompilerParams(skip_device_barrier=True),
        scratch_types=[
            pltpu.VMEM((n_chunks, _GATHER_CHUNK), jnp.int32),
            pltpu.VMEM((_GATHER_CHUNK, d), jnp.float32),
            pltpu.VMEM((_GATHER_CHUNK, d), jnp.float32),
            pltpu.SemaphoreType.DMA,
            pltpu.SemaphoreType.DMA,
        ],
    )
    def gather_k(idx_hbm, table_hbm, out_hbm, idx_v, rows_a, rows_b, gsem, ssem):
        wid = lax.axis_index("s") * _NC + lax.axis_index("c")
        base = wid * rows_per_w
        pltpu.sync_copy(idx_hbm.at[pl.ds(wid * n_chunks, n_chunks)], idx_v)
        bufs = (rows_a, rows_b)
        scats = [None, None]
        for c in range(n_chunks):
            buf = bufs[c % 2]
            if scats[c % 2] is not None:
                scats[c % 2].wait()
            pltpu.async_copy(table_hbm.at[idx_v.at[c]], buf, gsem).wait()
            scats[c % 2] = pltpu.async_copy(
                buf, out_hbm.at[pl.ds(base + c * _GATHER_CHUNK, _GATHER_CHUNK)],
                ssem)
        for s in scats:
            if s is not None:
                s.wait()

    return gather_k


_N_SPLIT = 4


def _mlp_body(g_ref, w1_ref, b1_ref, w2_ref, b2_ref, w3_ref, b3_ref, out_ref):
    m = g_ref.shape[0]
    sub = m // _N_SPLIT
    for s in range(_N_SPLIT):
        sl = pl.ds(s * sub, sub)
        g = g_ref[sl, :].astype(jnp.bfloat16)
        h = jnp.dot(g, w1_ref[:], preferred_element_type=jnp.float32)
        h = jnp.maximum(h + b1_ref[:], 0.0).astype(jnp.bfloat16)
        h = jnp.dot(h, w2_ref[:], preferred_element_type=jnp.float32)
        h = jnp.maximum(h + b2_ref[:], 0.0)
        out_ref[sl, :] = jnp.sum(h * w3_ref[:], axis=1, keepdims=True) + b3_ref[:]


def _mlp(g, w1, b1, w2, b2, w3t, b3, block_m=2048):
    batch, k1 = g.shape
    hidden = w1.shape[1]
    return pl.pallas_call(
        _mlp_body,
        grid=(batch // block_m,),
        in_specs=[
            pl.BlockSpec((block_m, k1), lambda i: (i, 0)),
            pl.BlockSpec((k1, hidden), lambda i: (0, 0)),
            pl.BlockSpec((1, hidden), lambda i: (0, 0)),
            pl.BlockSpec((hidden, hidden), lambda i: (0, 0)),
            pl.BlockSpec((1, hidden), lambda i: (0, 0)),
            pl.BlockSpec((1, hidden), lambda i: (0, 0)),
            pl.BlockSpec((1, 1), lambda i: (0, 0)),
        ],
        out_specs=pl.BlockSpec((block_m, 1), lambda i: (i, 0)),
        out_shape=jax.ShapeDtypeStruct((batch, 1), jnp.float32),
        compiler_params=pltpu.CompilerParams(skip_device_barrier=True),
    )(g, w1, b1, w2, b2, w3t, b3)


_N_CHUNKS = 2


def kernel(x, emb, W1, b1, W2, b2, W3, b3):
    batch = x.shape[0]
    d = emb.shape[1]
    hidden = W1.shape[1]
    idx_flat = x.astype(jnp.int32).reshape(-1)
    n_idx = idx_flat.shape[0]
    chunk_idx = n_idx // _N_CHUNKS
    gather_fn = _make_gather(chunk_idx, d)
    w1 = W1.astype(jnp.bfloat16)
    w2 = W2.astype(jnp.bfloat16)
    b1r = b1.reshape(1, hidden)
    b2r = b2.reshape(1, hidden)
    w3t = W3.reshape(1, hidden)
    b3r = b3.reshape(1, 1)
    idx2d = idx_flat.reshape(-1, _GATHER_CHUNK)
    rows_per_slice = chunk_idx // _GATHER_CHUNK
    gs = [
        gather_fn(
            lax.dynamic_slice_in_dim(idx2d, c * rows_per_slice, rows_per_slice),
            emb,
        )
        for c in range(_N_CHUNKS)
    ]
    outs = [
        _mlp(g.reshape(chunk_idx // 2, 2 * d), w1, b1r, w2, b2r, w3t, b3r)
        for g in gs
    ]
    return jnp.concatenate(outs, axis=0)

# --- scband reference (transcript-rebuilt; emitter-appended) ---
"""Pipeline reference for scband-critic-41266045779982 (READ-ONLY COPY).

The authoritative reference and input builder live on the scoring server;
editing this copy changes nothing except your own understanding.
"""

import jax, jax.numpy as jnp
import numpy as np

STATE_DIM = 100000
EMB_DIM = 256
HIDDEN_DIM = 1024
BATCH = 16384


def setup_inputs(seed: int = 0) -> dict:
    key = jax.random.key(seed)
    ks = jax.random.split(key, 8)
    x = jax.random.randint(ks[0], (BATCH, 2), 0, STATE_DIM, dtype=jnp.int64 if jax.config.jax_enable_x64 else jnp.int32)
    emb = jax.random.normal(ks[1], (STATE_DIM, EMB_DIM), dtype=jnp.float32) * 0.02
    W1 = jax.random.normal(ks[2], (EMB_DIM * 2, HIDDEN_DIM), dtype=jnp.float32) * (1.0 / np.sqrt(EMB_DIM * 2))
    b1 = jnp.zeros((HIDDEN_DIM,), dtype=jnp.float32)
    W2 = jax.random.normal(ks[3], (HIDDEN_DIM, HIDDEN_DIM), dtype=jnp.float32) * (1.0 / np.sqrt(HIDDEN_DIM))
    b2 = jnp.zeros((HIDDEN_DIM,), dtype=jnp.float32)
    W3 = jax.random.normal(ks[4], (HIDDEN_DIM, 1), dtype=jnp.float32) * (1.0 / np.sqrt(HIDDEN_DIM))
    b3 = jnp.zeros((1,), dtype=jnp.float32)
    return {"x": x, "emb": emb, "W1": W1, "b1": b1, "W2": W2, "b2": b2, "W3": W3, "b3": b3}


def reference(x, emb, W1, b1, W2, b2, W3, b3):
    idx0 = x[:, 0].astype(jnp.int32)
    idx1 = x[:, 1].astype(jnp.int32)
    x1 = jnp.take(emb, idx0, axis=0)
    x2 = jnp.take(emb, idx1, axis=0)
    h = jnp.concatenate([x1, x2], axis=-1)
    h = jax.nn.relu(h @ W1 + b1)
    h = jax.nn.relu(h @ W2 + b2)
    return h @ W3 + b3

if __name__ == "__main__":
    import jax
    _d = setup_inputs()
    print(jax.jit(kernel)(*tuple(_d.values())))

</pallas_src>

<mosaic_0001>
#map = affine_map<(d0, d1) -> (0, 0)>
module attributes {stable_mosaic.version = 14 : i64} {
  func.func @gather_k(%arg0: i32, %arg1: i32, %arg2: memref<128x128xi32, #tpu.memory_space<hbm>>, %arg3: memref<100000x256xf32, #tpu.memory_space<hbm>>, %arg4: memref<16384x256xf32, #tpu.memory_space<hbm>>, %arg5: memref<4x128xi32, #tpu.memory_space<vmem>>, %arg6: memref<128x256xf32, #tpu.memory_space<vmem>>, %arg7: memref<128x256xf32, #tpu.memory_space<vmem>>, %arg8: memref<!tpu.dma_semaphore, #tpu.memory_space<semaphore_mem>>, %arg9: memref<!tpu.dma_semaphore, #tpu.memory_space<semaphore_mem>>) attributes {dimension_semantics = [#tpu.dimension_semantics<core_parallel>, #tpu.dimension_semantics<subcore_parallel>], iteration_bounds = array<i64: 2, 16>, scalar_prefetch = 0 : i64, scratch_operands = 5 : i64, tpu.core_type = #tpu.core_type<sc_vector_subcore>, window_params = [{transform_indices = #map}, {transform_indices = #map}, {transform_indices = #map}]} {
    %mul3A = arith.constant 2 : i32
    %mul3A_0 = arith.muli %arg1, %mul3A : i32
    %add3A = arith.addi %mul3A_0, %arg0 : i32
    %mul3A_1 = arith.constant 512 : i32
    %mul3A_2 = arith.muli %add3A, %mul3A_1 : i32
    %mul3A_3 = arith.constant 4 : i32
    %mul3A_4 = arith.muli %add3A, %mul3A_3 : i32
    "tpu.region"() ({
      %run_scoped3A = tpu.sem_alloc : memref<!tpu.dma_semaphore, #tpu.memory_space<semaphore_mem>>
      %dma_start3A_99 = arith.constant 0 : i32
      %dma_start3A_100 = tpu.memref_slice %arg2[%mul3A_4, %dma_start3A_99] : memref<128x128xi32, #tpu.memory_space<hbm>> -> memref<4x128xi32, #tpu.memory_space<hbm>>
      %dma_start3A_101 = arith.constant 0 : i32
      %dma_start3A_102 = tpu.memref_slice %arg2[%mul3A_4, %dma_start3A_101] : memref<128x128xi32, #tpu.memory_space<hbm>> -> memref<4x128xi32, #tpu.memory_space<hbm>>
      tpu.enqueue_dma source(%dma_start3A_102 : memref<4x128xi32, #tpu.memory_space<hbm>>) target(%arg5 : memref<4x128xi32, #tpu.memory_space<vmem>>) target_semaphore(%run_scoped3A : memref<!tpu.dma_semaphore, #tpu.memory_space<semaphore_mem>>)
      %dma_wait3A_103 = arith.constant 0 : i32
      %dma_wait3A_104 = tpu.memref_slice %arg2[%mul3A_4, %dma_wait3A_103] : memref<128x128xi32, #tpu.memory_space<hbm>> -> memref<4x128xi32, #tpu.memory_space<hbm>>
      %dma_wait3A_105 = arith.constant 0 : i32
      %dma_wait3A_106 = tpu.memref_slice %arg2[%mul3A_4, %dma_wait3A_105] : memref<128x128xi32, #tpu.memory_space<hbm>> -> memref<4x128xi32, #tpu.memory_space<hbm>>
      tpu.wait_dma2 semaphore(%run_scoped3A : memref<!tpu.dma_semaphore, #tpu.memory_space<semaphore_mem>>) src(%dma_wait3A_106 : memref<4x128xi32, #tpu.memory_space<hbm>>) dst(%arg5 : memref<4x128xi32, #tpu.memory_space<vmem>>)
      tpu.yield
    }) : () -> ()
    %dma_start3A = arith.constant 0 : i32
    %dma_start3A_5 = arith.constant 0 : i32
    %dma_start3A_6 = tpu.memref_slice %arg5[%dma_start3A, %dma_start3A_5] : memref<4x128xi32, #tpu.memory_space<vmem>> -> memref<1x128xi32, #tpu.memory_space<vmem>>
    %dma_start3A_7 = tpu.memref_squeeze %dma_start3A_6 : memref<1x128xi32, #tpu.memory_space<vmem>> -> memref<128xi32, #tpu.memory_space<vmem>>
    %dma_start3A_8 = arith.constant 0 : i32
    %dma_start3A_9 = arith.constant 0 : i32
    %dma_start3A_10 = tpu.memref_slice %arg3[%dma_start3A_8, %dma_start3A_9] : memref<100000x256xf32, #tpu.memory_space<hbm>> -> memref<100000x256xf32, #tpu.memory_space<hbm>>
    tpu.enqueue_indirect_dma source(%dma_start3A_10 : memref<100000x256xf32, #tpu.memory_space<hbm>>) target(%arg6 : memref<128x256xf32, #tpu.memory_space<vmem>>) offsets(%dma_start3A_7 : memref<128xi32, #tpu.memory_space<vmem>>) semaphore(%arg8 : memref<!tpu.dma_semaphore, #tpu.memory_space<semaphore_mem>>)
    %dma_wait3A = arith.constant 0 : i32
    %dma_wait3A_11 = arith.constant 0 : i32
    %dma_wait3A_12 = tpu.memref_slice %arg5[%dma_wait3A, %dma_wait3A_11] : memref<4x128xi32, #tpu.memory_space<vmem>> -> memref<1x128xi32, #tpu.memory_space<vmem>>
    %dma_wait3A_13 = tpu.memref_squeeze %dma_wait3A_12 : memref<1x128xi32, #tpu.memory_space<vmem>> -> memref<128xi32, #tpu.memory_space<vmem>>
    %dma_wait3A_14 = arith.constant 0 : i32
    %dma_wait3A_15 = arith.constant 0 : i32
    %dma_wait3A_16 = tpu.memref_slice %arg3[%dma_wait3A_14, %dma_wait3A_15] : memref<100000x256xf32, #tpu.memory_space<hbm>> -> memref<100000x256xf32, #tpu.memory_space<hbm>>
    tpu.wait_indirect_dma semaphore(%arg8 : memref<!tpu.dma_semaphore, #tpu.memory_space<semaphore_mem>>) src(%dma_wait3A_16 : memref<100000x256xf32, #tpu.memory_space<hbm>>) dst(%arg6 : memref<128x256xf32, #tpu.memory_space<vmem>>)
    %add3A_17 = arith.constant 0 : i32
    %add3A_18 = arith.addi %mul3A_2, %add3A_17 : i32
    %dma_start3A_19 = arith.constant 0 : i32
    %dma_start3A_20 = tpu.memref_slice %arg4[%add3A_18, %dma_start3A_19] : memref<16384x256xf32, #tpu.memory_space<hbm>> -> memref<128x256xf32, #tpu.memory_space<hbm>>
    %dma_start3A_21 = arith.constant 0 : i32
    %dma_start3A_22 = tpu.memref_slice %arg4[%add3A_18, %dma_start3A_21] : memref<16384x256xf32, #tpu.memory_space<hbm>> -> memref<128x256xf32, #tpu.memory_space<hbm>>
    tpu.enqueue_dma source(%arg6 : memref<128x256xf32, #tpu.memory_space<vmem>>) target(%dma_start3A_22 : memref<128x256xf32, #tpu.memory_space<hbm>>) target_semaphore(%arg9 : memref<!tpu.dma_semaphore, #tpu.memory_space<semaphore_mem>>)
    %dma_start3A_23 = arith.constant 1 : i32
    %dma_start3A_24 = arith.constant 0 : i32
    %dma_start3A_25 = tpu.memref_slice %arg5[%dma_start3A_23, %dma_start3A_24] : memref<4x128xi32, #tpu.memory_space<vmem>> -> memref<1x128xi32, #tpu.memory_space<vmem>>
    %dma_start3A_26 = tpu.memref_squeeze %dma_start3A_25 : memref<1x128xi32, #tpu.memory_space<vmem>> -> memref<128xi32, #tpu.memory_space<vmem>>
    %dma_start3A_27 = arith.constant 0 : i32
    %dma_start3A_28 = arith.constant 0 : i32
    %dma_start3A_29 = tpu.memref_slice %arg3[%dma_start3A_27, %dma_start3A_28] : memref<100000x256xf32, #tpu.memory_space<hbm>> -> memref<100000x256xf32, #tpu.memory_space<hbm>>
    tpu.enqueue_indirect_dma source(%dma_start3A_29 : memref<100000x256xf32, #tpu.memory_space<hbm>>) target(%arg7 : memref<128x256xf32, #tpu.memory_space<vmem>>) offsets(%dma_start3A_26 : memref<128xi32, #tpu.memory_space<vmem>>) semaphore(%arg8 : memref<!tpu.dma_semaphore, #tpu.memory_space<semaphore_mem>>)
    %dma_wait3A_30 = arith.constant 1 : i32
    %dma_wait3A_31 = arith.constant 0 : i32
    %dma_wait3A_32 = tpu.memref_slice %arg5[%dma_wait3A_30, %dma_wait3A_31] : memref<4x128xi32, #tpu.memory_space<vmem>> -> memref<1x128xi32, #tpu.memory_space<vmem>>
    %dma_wait3A_33 = tpu.memref_squeeze %dma_wait3A_32 : memref<1x128xi32, #tpu.memory_space<vmem>> -> memref<128xi32, #tpu.memory_space<vmem>>
    %dma_wait3A_34 = arith.constant 0 : i32
    %dma_wait3A_35 = arith.constant 0 : i32
    %dma_wait3A_36 = tpu.memref_slice %arg3[%dma_wait3A_34, %dma_wait3A_35] : memref<100000x256xf32, #tpu.memory_space<hbm>> -> memref<100000x256xf32, #tpu.memory_space<hbm>>
    tpu.wait_indirect_dma semaphore(%arg8 : memref<!tpu.dma_semaphore, #tpu.memory_space<semaphore_mem>>) src(%dma_wait3A_36 : memref<100000x256xf32, #tpu.memory_space<hbm>>) dst(%arg7 : memref<128x256xf32, #tpu.memory_space<vmem>>)
    %add3A_37 = arith.constant 128 : i32
    %add3A_38 = arith.addi %mul3A_2, %add3A_37 : i32
    %dma_start3A_39 = arith.constant 0 : i32
    %dma_start3A_40 = tpu.memref_slice %arg4[%add3A_38, %dma_start3A_39] : memref<16384x256xf32, #tpu.memory_space<hbm>> -> memref<128x256xf32, #tpu.memory_space<hbm>>
    %dma_start3A_41 = arith.constant 0 : i32
    %dma_start3A_42 = tpu.memref_slice %arg4[%add3A_38, %dma_start3A_41] : memref<16384x256xf32, #tpu.memory_space<hbm>> -> memref<128x256xf32, #tpu.memory_space<hbm>>
    tpu.enqueue_dma source(%arg7 : memref<128x256xf32, #tpu.memory_space<vmem>>) target(%dma_start3A_42 : memref<128x256xf32, #tpu.memory_space<hbm>>) target_semaphore(%arg9 : memref<!tpu.dma_semaphore, #tpu.memory_space<semaphore_mem>>)
    %dma_wait3A_43 = arith.constant 0 : i32
    %dma_wait3A_44 = tpu.memref_slice %arg4[%add3A_18, %dma_wait3A_43] : memref<16384x256xf32, #tpu.memory_space<hbm>> -> memref<128x256xf32, #tpu.memory_space<hbm>>
    %dma_wait3A_45 = arith.constant 0 : i32
    %dma_wait3A_46 = tpu.memref_slice %arg4[%add3A_18, %dma_wait3A_45] : memref<16384x256xf32, #tpu.memory_space<hbm>> -> memref<128x256xf32, #tpu.memory_space<hbm>>
    tpu.wait_dma2 semaphore(%arg9 : memref<!tpu.dma_semaphore, #tpu.memory_space<semaphore_mem>>) src(%arg6 : memref<128x256xf32, #tpu.memory_space<vmem>>) dst(%dma_wait3A_46 : memref<128x256xf32, #tpu.memory_space<hbm>>)
    %dma_start3A_47 = arith.constant 2 : i32
    %dma_start3A_48 = arith.constant 0 : i32
    %dma_start3A_49 = tpu.memref_slice %arg5[%dma_start3A_47, %dma_start3A_48] : memref<4x128xi32, #tpu.memory_space<vmem>> -> memref<1x128xi32, #tpu.memory_space<vmem>>
    %dma_start3A_50 = tpu.memref_squeeze %dma_start3A_49 : memref<1x128xi32, #tpu.memory_space<vmem>> -> memref<128xi32, #tpu.memory_space<vmem>>
    %dma_start3A_51 = arith.constant 0 : i32
    %dma_start3A_52 = arith.constant 0 : i32
    %dma_start3A_53 = tpu.memref_slice %arg3[%dma_start3A_51, %dma_start3A_52] : memref<100000x256xf32, #tpu.memory_space<hbm>> -> memref<100000x256xf32, #tpu.memory_space<hbm>>
    tpu.enqueue_indirect_dma source(%dma_start3A_53 : memref<100000x256xf32, #tpu.memory_space<hbm>>) target(%arg6 : memref<128x256xf32, #tpu.memory_space<vmem>>) offsets(%dma_start3A_50 : memref<128xi32, #tpu.memory_space<vmem>>) semaphore(%arg8 : memref<!tpu.dma_semaphore, #tpu.memory_space<semaphore_mem>>)
    %dma_wait3A_54 = arith.constant 2 : i32
    %dma_wait3A_55 = arith.constant 0 : i32
    %dma_wait3A_56 = tpu.memref_slice %arg5[%dma_wait3A_54, %dma_wait3A_55] : memref<4x128xi32, #tpu.memory_space<vmem>> -> memref<1x128xi32, #tpu.memory_space<vmem>>
    %dma_wait3A_57 = tpu.memref_squeeze %dma_wait3A_56 : memref<1x128xi32, #tpu.memory_space<vmem>> -> memref<128xi32, #tpu.memory_space<vmem>>
    %dma_wait3A_58 = arith.constant 0 : i32
    %dma_wait3A_59 = arith.constant 0 : i32
    %dma_wait3A_60 = tpu.memref_slice %arg3[%dma_wait3A_58, %dma_wait3A_59] : memref<100000x256xf32, #tpu.memory_space<hbm>> -> memref<100000x256xf32, #tpu.memory_space<hbm>>
    tpu.wait_indirect_dma semaphore(%arg8 : memref<!tpu.dma_semaphore, #tpu.memory_space<semaphore_mem>>) src(%dma_wait3A_60 : memref<100000x256xf32, #tpu.memory_space<hbm>>) dst(%arg6 : memref<128x256xf32, #tpu.memory_space<vmem>>)
    %add3A_61 = arith.constant 256 : i32
    %add3A_62 = arith.addi %mul3A_2, %add3A_61 : i32
    %dma_start3A_63 = arith.constant 0 : i32
    %dma_start3A_64 = tpu.memref_slice %arg4[%add3A_62, %dma_start3A_63] : memref<16384x256xf32, #tpu.memory_space<hbm>> -> memref<128x256xf32, #tpu.memory_space<hbm>>
    %dma_start3A_65 = arith.constant 0 : i32
    %dma_start3A_66 = tpu.memref_slice %arg4[%add3A_62, %dma_start3A_65] : memref<16384x256xf32, #tpu.memory_space<hbm>> -> memref<128x256xf32, #tpu.memory_space<hbm>>
    tpu.enqueue_dma source(%arg6 : memref<128x256xf32, #tpu.memory_space<vmem>>) target(%dma_start3A_66 : memref<128x256xf32, #tpu.memory_space<hbm>>) target_semaphore(%arg9 : memref<!tpu.dma_semaphore, #tpu.memory_space<semaphore_mem>>)
    %dma_wait3A_67 = arith.constant 0 : i32
    %dma_wait3A_68 = tpu.memref_slice %arg4[%add3A_38, %dma_wait3A_67] : memref<16384x256xf32, #tpu.memory_space<hbm>> -> memref<128x256xf32, #tpu.memory_space<hbm>>
    %dma_wait3A_69 = arith.constant 0 : i32
    %dma_wait3A_70 = tpu.memref_slice %arg4[%add3A_38, %dma_wait3A_69] : memref<16384x256xf32, #tpu.memory_space<hbm>> -> memref<128x256xf32, #tpu.memory_space<hbm>>
    tpu.wait_dma2 semaphore(%arg9 : memref<!tpu.dma_semaphore, #tpu.memory_space<semaphore_mem>>) src(%arg7 : memref<128x256xf32, #tpu.memory_space<vmem>>) dst(%dma_wait3A_70 : memref<128x256xf32, #tpu.memory_space<hbm>>)
    %dma_start3A_71 = arith.constant 3 : i32
    %dma_start3A_72 = arith.constant 0 : i32
    %dma_start3A_73 = tpu.memref_slice %arg5[%dma_start3A_71, %dma_start3A_72] : memref<4x128xi32, #tpu.memory_space<vmem>> -> memref<1x128xi32, #tpu.memory_space<vmem>>
    %dma_start3A_74 = tpu.memref_squeeze %dma_start3A_73 : memref<1x128xi32, #tpu.memory_space<vmem>> -> memref<128xi32, #tpu.memory_space<vmem>>
    %dma_start3A_75 = arith.constant 0 : i32
    %dma_start3A_76 = arith.constant 0 : i32
    %dma_start3A_77 = tpu.memref_slice %arg3[%dma_start3A_75, %dma_start3A_76] : memref<100000x256xf32, #tpu.memory_space<hbm>> -> memref<100000x256xf32, #tpu.memory_space<hbm>>
    tpu.enqueue_indirect_dma source(%dma_start3A_77 : memref<100000x256xf32, #tpu.memory_space<hbm>>) target(%arg7 : memref<128x256xf32, #tpu.memory_space<vmem>>) offsets(%dma_start3A_74 : memref<128xi32, #tpu.memory_space<vmem>>) semaphore(%arg8 : memref<!tpu.dma_semaphore, #tpu.memory_space<semaphore_mem>>)
    %dma_wait3A_78 = arith.constant 3 : i32
    %dma_wait3A_79 = arith.constant 0 : i32
    %dma_wait3A_80 = tpu.memref_slice %arg5[%dma_wait3A_78, %dma_wait3A_79] : memref<4x128xi32, #tpu.memory_space<vmem>> -> memref<1x128xi32, #tpu.memory_space<vmem>>
    %dma_wait3A_81 = tpu.memref_squeeze %dma_wait3A_80 : memref<1x128xi32, #tpu.memory_space<vmem>> -> memref<128xi32, #tpu.memory_space<vmem>>
    %dma_wait3A_82 = arith.constant 0 : i32
    %dma_wait3A_83 = arith.constant 0 : i32
    %dma_wait3A_84 = tpu.memref_slice %arg3[%dma_wait3A_82, %dma_wait3A_83] : memref<100000x256xf32, #tpu.memory_space<hbm>> -> memref<100000x256xf32, #tpu.memory_space<hbm>>
    tpu.wait_indirect_dma semaphore(%arg8 : memref<!tpu.dma_semaphore, #tpu.memory_space<semaphore_mem>>) src(%dma_wait3A_84 : memref<100000x256xf32, #tpu.memory_space<hbm>>) dst(%arg7 : memref<128x256xf32, #tpu.memory_space<vmem>>)
    %add3A_85 = arith.constant 384 : i32
    %add3A_86 = arith.addi %mul3A_2, %add3A_85 : i32
    %dma_start3A_87 = arith.constant 0 : i32
    %dma_start3A_88 = tpu.memref_slice %arg4[%add3A_86, %dma_start3A_87] : memref<16384x256xf32, #tpu.memory_space<hbm>> -> memref<128x256xf32, #tpu.memory_space<hbm>>
    %dma_start3A_89 = arith.constant 0 : i32
    %dma_start3A_90 = tpu.memref_slice %arg4[%add3A_86, %dma_start3A_89] : memref<16384x256xf32, #tpu.memory_space<hbm>> -> memref<128x256xf32, #tpu.memory_space<hbm>>
    tpu.enqueue_dma source(%arg7 : memref<128x256xf32, #tpu.memory_space<vmem>>) target(%dma_start3A_90 : memref<128x256xf32, #tpu.memory_space<hbm>>) target_semaphore(%arg9 : memref<!tpu.dma_semaphore, #tpu.memory_space<semaphore_mem>>)
    %dma_wait3A_91 = arith.constant 0 : i32
    %dma_wait3A_92 = tpu.memref_slice %arg4[%add3A_62, %dma_wait3A_91] : memref<16384x256xf32, #tpu.memory_space<hbm>> -> memref<128x256xf32, #tpu.memory_space<hbm>>
    %dma_wait3A_93 = arith.constant 0 : i32
    %dma_wait3A_94 = tpu.memref_slice %arg4[%add3A_62, %dma_wait3A_93] : memref<16384x256xf32, #tpu.memory_space<hbm>> -> memref<128x256xf32, #tpu.memory_space<hbm>>
    tpu.wait_dma2 semaphore(%arg9 : memref<!tpu.dma_semaphore, #tpu.memory_space<semaphore_mem>>) src(%arg6 : memref<128x256xf32, #tpu.memory_space<vmem>>) dst(%dma_wait3A_94 : memref<128x256xf32, #tpu.memory_space<hbm>>)
    %dma_wait3A_95 = arith.constant 0 : i32
    %dma_wait3A_96 = tpu.memref_slice %arg4[%add3A_86, %dma_wait3A_95] : memref<16384x256xf32, #tpu.memory_space<hbm>> -> memref<128x256xf32, #tpu.memory_space<hbm>>
    %dma_wait3A_97 = arith.constant 0 : i32
    %dma_wait3A_98 = tpu.memref_slice %arg4[%add3A_86, %dma_wait3A_97] : memref<16384x256xf32, #tpu.memory_space<hbm>> -> memref<128x256xf32, #tpu.memory_space<hbm>>
    tpu.wait_dma2 semaphore(%arg9 : memref<!tpu.dma_semaphore, #tpu.memory_space<semaphore_mem>>) src(%arg7 : memref<128x256xf32, #tpu.memory_space<vmem>>) dst(%dma_wait3A_98 : memref<128x256xf32, #tpu.memory_space<hbm>>)
    return
  }
}

#map = affine_map<(d0, d1) -> (0, 0)>
module attributes {stable_mosaic.version = 14 : i64} {
  func.func @gather_k(%arg0: i32, %arg1: i32, %arg2: memref<128x128xi32, #tpu.memory_space<hbm>>, %arg3: memref<100000x256xf32, #tpu.memory_space<hbm>>, %arg4: memref<16384x256xf32, #tpu.memory_space<hbm>>, %arg5: memref<4x128xi32, #tpu.memory_space<vmem>>, %arg6: memref<128x256xf32, #tpu.memory_space<vmem>>, %arg7: memref<128x256xf32, #tpu.memory_space<vmem>>, %arg8: memref<!tpu.dma_semaphore, #tpu.memory_space<semaphore_mem>>, %arg9: memref<!tpu.dma_semaphore, #tpu.memory_space<semaphore_mem>>) attributes {dimension_semantics = [#tpu.dimension_semantics<core_parallel>, #tpu.dimension_semantics<subcore_parallel>], iteration_bounds = array<i64: 2, 16>, scalar_prefetch = 0 : i64, scratch_operands = 5 : i64, tpu.core_type = #tpu.core_type<sc_vector_subcore>, window_params = [{transform_indices = #map}, {transform_indices = #map}, {transform_indices = #map}]} {
    %mul3A = arith.constant 2 : i32
    %mul3A_0 = arith.muli %arg1, %mul3A : i32
    %add3A = arith.addi %mul3A_0, %arg0 : i32
    %mul3A_1 = arith.constant 512 : i32
    %mul3A_2 = arith.muli %add3A, %mul3A_1 : i32
    %mul3A_3 = arith.constant 4 : i32
    %mul3A_4 = arith.muli %add3A, %mul3A_3 : i32
    "tpu.region"() ({
      %run_scoped3A = tpu.sem_alloc : memref<!tpu.dma_semaphore, #tpu.memory_space<semaphore_mem>>
      %dma_start3A_99 = arith.constant 0 : i32
      %dma_start3A_100 = tpu.memref_slice %arg2[%mul3A_4, %dma_start3A_99] : memref<128x128xi32, #tpu.memory_space<hbm>> -> memref<4x128xi32, #tpu.memory_space<hbm>>
      %dma_start3A_101 = arith.constant 0 : i32
      %dma_start3A_102 = tpu.memref_slice %arg2[%mul3A_4, %dma_start3A_101] : memref<128x128xi32, #tpu.memory_space<hbm>> -> memref<4x128xi32, #tpu.memory_space<hbm>>
      tpu.enqueue_dma source(%dma_start3A_102 : memref<4x128xi32, #tpu.memory_space<hbm>>) target(%arg5 : memref<4x128xi32, #tpu.memory_space<vmem>>) target_semaphore(%run_scoped3A : memref<!tpu.dma_semaphore, #tpu.memory_space<semaphore_mem>>)
      %dma_wait3A_103 = arith.constant 0 : i32
      %dma_wait3A_104 = tpu.memref_slice %arg2[%mul3A_4, %dma_wait3A_103] : memref<128x128xi32, #tpu.memory_space<hbm>> -> memref<4x128xi32, #tpu.memory_space<hbm>>
      %dma_wait3A_105 = arith.constant 0 : i32
      %dma_wait3A_106 = tpu.memref_slice %arg2[%mul3A_4, %dma_wait3A_105] : memref<128x128xi32, #tpu.memory_space<hbm>> -> memref<4x128xi32, #tpu.memory_space<hbm>>
      tpu.wait_dma2 semaphore(%run_scoped3A : memref<!tpu.dma_semaphore, #tpu.memory_space<semaphore_mem>>) src(%dma_wait3A_106 : memref<4x128xi32, #tpu.memory_space<hbm>>) dst(%arg5 : memref<4x128xi32, #tpu.memory_space<vmem>>)
      tpu.yield
    }) : () -> ()
    %dma_start3A = arith.constant 0 : i32
    %dma_start3A_5 = arith.constant 0 : i32
    %dma_start3A_6 = tpu.memref_slice %arg5[%dma_start3A, %dma_start3A_5] : memref<4x128xi32, #tpu.memory_space<vmem>> -> memref<1x128xi32, #tpu.memory_space<vmem>>
    %dma_start3A_7 = tpu.memref_squeeze %dma_start3A_6 : memref<1x128xi32, #tpu.memory_space<vmem>> -> memref<128xi32, #tpu.memory_space<vmem>>
    %dma_start3A_8 = arith.constant 0 : i32
    %dma_start3A_9 = arith.constant 0 : i32
    %dma_start3A_10 = tpu.memref_slice %arg3[%dma_start3A_8, %dma_start3A_9] : memref<100000x256xf32, #tpu.memory_space<hbm>> -> memref<100000x256xf32, #tpu.memory_space<hbm>>
    tpu.enqueue_indirect_dma source(%dma_start3A_10 : memref<100000x256xf32, #tpu.memory_space<hbm>>) target(%arg6 : memref<128x256xf32, #tpu.memory_space<vmem>>) offsets(%dma_start3A_7 : memref<128xi32, #tpu.memory_space<vmem>>) semaphore(%arg8 : memref<!tpu.dma_semaphore, #tpu.memory_space<semaphore_mem>>)
    %dma_wait3A = arith.constant 0 : i32
    %dma_wait3A_11 = arith.constant 0 : i32
    %dma_wait3A_12 = tpu.memref_slice %arg5[%dma_wait3A, %dma_wait3A_11] : memref<4x128xi32, #tpu.memory_space<vmem>> -> memref<1x128xi32, #tpu.memory_space<vmem>>
    %dma_wait3A_13 = tpu.memref_squeeze %dma_wait3A_12 : memref<1x128xi32, #tpu.memory_space<vmem>> -> memref<128xi32, #tpu.memory_space<vmem>>
    %dma_wait3A_14 = arith.constant 0 : i32
    %dma_wait3A_15 = arith.constant 0 : i32
    %dma_wait3A_16 = tpu.memref_slice %arg3[%dma_wait3A_14, %dma_wait3A_15] : memref<100000x256xf32, #tpu.memory_space<hbm>> -> memref<100000x256xf32, #tpu.memory_space<hbm>>
    tpu.wait_indirect_dma semaphore(%arg8 : memref<!tpu.dma_semaphore, #tpu.memory_space<semaphore_mem>>) src(%dma_wait3A_16 : memref<100000x256xf32, #tpu.memory_space<hbm>>) dst(%arg6 : memref<128x256xf32, #tpu.memory_space<vmem>>)
    %add3A_17 = arith.constant 0 : i32
    %add3A_18 = arith.addi %mul3A_2, %add3A_17 : i32
    %dma_start3A_19 = arith.constant 0 : i32
    %dma_start3A_20 = tpu.memref_slice %arg4[%add3A_18, %dma_start3A_19] : memref<16384x256xf32, #tpu.memory_space<hbm>> -> memref<128x256xf32, #tpu.memory_space<hbm>>
    %dma_start3A_21 = arith.constant 0 : i32
    %dma_start3A_22 = tpu.memref_slice %arg4[%add3A_18, %dma_start3A_21] : memref<16384x256xf32, #tpu.memory_space<hbm>> -> memref<128x256xf32, #tpu.memory_space<hbm>>
    tpu.enqueue_dma source(%arg6 : memref<128x256xf32, #tpu.memory_space<vmem>>) target(%dma_start3A_22 : memref<128x256xf32, #tpu.memory_space<hbm>>) target_semaphore(%arg9 : memref<!tpu.dma_semaphore, #tpu.memory_space<semaphore_mem>>)
    %dma_start3A_23 = arith.constant 1 : i32
    %dma_start3A_24 = arith.constant 0 : i32
    %dma_start3A_25 = tpu.memref_slice %arg5[%dma_start3A_23, %dma_start3A_24] : memref<4x128xi32, #tpu.memory_space<vmem>> -> memref<1x128xi32, #tpu.memory_space<vmem>>
    %dma_start3A_26 = tpu.memref_squeeze %dma_start3A_25 : memref<1x128xi32, #tpu.memory_space<vmem>> -> memref<128xi32, #tpu.memory_space<vmem>>
    %dma_start3A_27 = arith.constant 0 : i32
    %dma_start3A_28 = arith.constant 0 : i32
    %dma_start3A_29 = tpu.memref_slice %arg3[%dma_start3A_27, %dma_start3A_28] : memref<100000x256xf32, #tpu.memory_space<hbm>> -> memref<100000x256xf32, #tpu.memory_space<hbm>>
    tpu.enqueue_indirect_dma source(%dma_start3A_29 : memref<100000x256xf32, #tpu.memory_space<hbm>>) target(%arg7 : memref<128x256xf32, #tpu.memory_space<vmem>>) offsets(%dma_start3A_26 : memref<128xi32, #tpu.memory_space<vmem>>) semaphore(%arg8 : memref<!tpu.dma_semaphore, #tpu.memory_space<semaphore_mem>>)
    %dma_wait3A_30 = arith.constant 1 : i32
    %dma_wait3A_31 = arith.constant 0 : i32
    %dma_wait3A_32 = tpu.memref_slice %arg5[%dma_wait3A_30, %dma_wait3A_31] : memref<4x128xi32, #tpu.memory_space<vmem>> -> memref<1x128xi32, #tpu.memory_space<vmem>>
    %dma_wait3A_33 = tpu.memref_squeeze %dma_wait3A_32 : memref<1x128xi32, #tpu.memory_space<vmem>> -> memref<128xi32, #tpu.memory_space<vmem>>
    %dma_wait3A_34 = arith.constant 0 : i32
    %dma_wait3A_35 = arith.constant 0 : i32
    %dma_wait3A_36 = tpu.memref_slice %arg3[%dma_wait3A_34, %dma_wait3A_35] : memref<100000x256xf32, #tpu.memory_space<hbm>> -> memref<100000x256xf32, #tpu.memory_space<hbm>>
    tpu.wait_indirect_dma semaphore(%arg8 : memref<!tpu.dma_semaphore, #tpu.memory_space<semaphore_mem>>) src(%dma_wait3A_36 : memref<100000x256xf32, #tpu.memory_space<hbm>>) dst(%arg7 : memref<128x256xf32, #tpu.memory_space<vmem>>)
    %add3A_37 = arith.constant 128 : i32
    %add3A_38 = arith.addi %mul3A_2, %add3A_37 : i32
    %dma_start3A_39 = arith.constant 0 : i32
    %dma_start3A_40 = tpu.memref_slice %arg4[%add3A_38, %dma_start3A_39] : memref<16384x256xf32, #tpu.memory_space<hbm>> -> memref<128x256xf32, #tpu.memory_space<hbm>>
    %dma_start3A_41 = arith.constant 0 : i32
    %dma_start3A_42 = tpu.memref_slice %arg4[%add3A_38, %dma_start3A_41] : memref<16384x256xf32, #tpu.memory_space<hbm>> -> memref<128x256xf32, #tpu.memory_space<hbm>>
    tpu.enqueue_dma source(%arg7 : memref<128x256xf32, #tpu.memory_space<vmem>>) target(%dma_start3A_42 : memref<128x256xf32, #tpu.memory_space<hbm>>) target_semaphore(%arg9 : memref<!tpu.dma_semaphore, #tpu.memory_space<semaphore_mem>>)
    %dma_wait3A_43 = arith.constant 0 : i32
    %dma_wait3A_44 = tpu.memref_slice %arg4[%add3A_18, %dma_wait3A_43] : memref<16384x256xf32, #tpu.memory_space<hbm>> -> memref<128x256xf32, #tpu.memory_space<hbm>>
    %dma_wait3A_45 = arith.constant 0 : i32
    %dma_wait3A_46 = tpu.memref_slice %arg4[%add3A_18, %dma_wait3A_45] : memref<16384x256xf32, #tpu.memory_space<hbm>> -> memref<128x256xf32, #tpu.memory_space<hbm>>
    tpu.wait_dma2 semaphore(%arg9 : memref<!tpu.dma_semaphore, #tpu.memory_space<semaphore_mem>>) src(%arg6 : memref<128x256xf32, #tpu.memory_space<vmem>>) dst(%dma_wait3A_46 : memref<128x256xf32, #tpu.memory_space<hbm>>)
    %dma_start3A_47 = arith.constant 2 : i32
    %dma_start3A_48 = arith.constant 0 : i32
    %dma_start3A_49 = tpu.memref_slice %arg5[%dma_start3A_47, %dma_start3A_48] : memref<4x128xi32, #tpu.memory_space<vmem>> -> memref<1x128xi32, #tpu.memory_space<vmem>>
    %dma_start3A_50 = tpu.memref_squeeze %dma_start3A_49 : memref<1x128xi32, #tpu.memory_space<vmem>> -> memref<128xi32, #tpu.memory_space<vmem>>
    %dma_start3A_51 = arith.constant 0 : i32
    %dma_start3A_52 = arith.constant 0 : i32
    %dma_start3A_53 = tpu.memref_slice %arg3[%dma_start3A_51, %dma_start3A_52] : memref<100000x256xf32, #tpu.memory_space<hbm>> -> memref<100000x256xf32, #tpu.memory_space<hbm>>
    tpu.enqueue_indirect_dma source(%dma_start3A_53 : memref<100000x256xf32, #tpu.memory_space<hbm>>) target(%arg6 : memref<128x256xf32, #tpu.memory_space<vmem>>) offsets(%dma_start3A_50 : memref<128xi32, #tpu.memory_space<vmem>>) semaphore(%arg8 : memref<!tpu.dma_semaphore, #tpu.memory_space<semaphore_mem>>)
    %dma_wait3A_54 = arith.constant 2 : i32
    %dma_wait3A_55 = arith.constant 0 : i32
    %dma_wait3A_56 = tpu.memref_slice %arg5[%dma_wait3A_54, %dma_wait3A_55] : memref<4x128xi32, #tpu.memory_space<vmem>> -> memref<1x128xi32, #tpu.memory_space<vmem>>
    %dma_wait3A_57 = tpu.memref_squeeze %dma_wait3A_56 : memref<1x128xi32, #tpu.memory_space<vmem>> -> memref<128xi32, #tpu.memory_space<vmem>>
    %dma_wait3A_58 = arith.constant 0 : i32
    %dma_wait3A_59 = arith.constant 0 : i32
    %dma_wait3A_60 = tpu.memref_slice %arg3[%dma_wait3A_58, %dma_wait3A_59] : memref<100000x256xf32, #tpu.memory_space<hbm>> -> memref<100000x256xf32, #tpu.memory_space<hbm>>
    tpu.wait_indirect_dma semaphore(%arg8 : memref<!tpu.dma_semaphore, #tpu.memory_space<semaphore_mem>>) src(%dma_wait3A_60 : memref<100000x256xf32, #tpu.memory_space<hbm>>) dst(%arg6 : memref<128x256xf32, #tpu.memory_space<vmem>>)
    %add3A_61 = arith.constant 256 : i32
    %add3A_62 = arith.addi %mul3A_2, %add3A_61 : i32
    %dma_start3A_63 = arith.constant 0 : i32
    %dma_start3A_64 = tpu.memref_slice %arg4[%add3A_62, %dma_start3A_63] : memref<16384x256xf32, #tpu.memory_space<hbm>> -> memref<128x256xf32, #tpu.memory_space<hbm>>
    %dma_start3A_65 = arith.constant 0 : i32
    %dma_start3A_66 = tpu.memref_slice %arg4[%add3A_62, %dma_start3A_65] : memref<16384x256xf32, #tpu.memory_space<hbm>> -> memref<128x256xf32, #tpu.memory_space<hbm>>
    tpu.enqueue_dma source(%arg6 : memref<128x256xf32, #tpu.memory_space<vmem>>) target(%dma_start3A_66 : memref<128x256xf32, #tpu.memory_space<hbm>>) target_semaphore(%arg9 : memref<!tpu.dma_semaphore, #tpu.memory_space<semaphore_mem>>)
    %dma_wait3A_67 = arith.constant 0 : i32
    %dma_wait3A_68 = tpu.memref_slice %arg4[%add3A_38, %dma_wait3A_67] : memref<16384x256xf32, #tpu.memory_space<hbm>> -> memref<128x256xf32, #tpu.memory_space<hbm>>
    %dma_wait3A_69 = arith.constant 0 : i32
    %dma_wait3A_70 = tpu.memref_slice %arg4[%add3A_38, %dma_wait3A_69] : memref<16384x256xf32, #tpu.memory_space<hbm>> -> memref<128x256xf32, #tpu.memory_space<hbm>>
    tpu.wait_dma2 semaphore(%arg9 : memref<!tpu.dma_semaphore, #tpu.memory_space<semaphore_mem>>) src(%arg7 : memref<128x256xf32, #tpu.memory_space<vmem>>) dst(%dma_wait3A_70 : memref<128x256xf32, #tpu.memory_space<hbm>>)
    %dma_start3A_71 = arith.constant 3 : i32
    %dma_start3A_72 = arith.constant 0 : i32
    %dma_start3A_73 = tpu.memref_slice %arg5[%dma_start3A_71, %dma_start3A_72] : memref<4x128xi32, #tpu.memory_space<vmem>> -> memref<1x128xi32, #tpu.memory_space<vmem>>
    %dma_start3A_74 = tpu.memref_squeeze %dma_start3A_73 : memref<1x128xi32, #tpu.memory_space<vmem>> -> memref<128xi32, #tpu.memory_space<vmem>>
    %dma_start3A_75 = arith.constant 0 : i32
    %dma_start3A_76 = arith.constant 0 : i32
    %dma_start3A_77 = tpu.memref_slice %arg3[%dma_start3A_75, %dma_start3A_76] : memref<100000x256xf32, #tpu.memory_space<hbm>> -> memref<100000x256xf32, #tpu.memory_space<hbm>>
    tpu.enqueue_indirect_dma source(%dma_start3A_77 : memref<100000x256xf32, #tpu.memory_space<hbm>>) target(%arg7 : memref<128x256xf32, #tpu.memory_space<vmem>>) offsets(%dma_start3A_74 : memref<128xi32, #tpu.memory_space<vmem>>) semaphore(%arg8 : memref<!tpu.dma_semaphore, #tpu.memory_space<semaphore_mem>>)
    %dma_wait3A_78 = arith.constant 3 : i32
    %dma_wait3A_79 = arith.constant 0 : i32
    %dma_wait3A_80 = tpu.memref_slice %arg5[%dma_wait3A_78, %dma_wait3A_79] : memref<4x128xi32, #tpu.memory_space<vmem>> -> memref<1x128xi32, #tpu.memory_space<vmem>>
    %dma_wait3A_81 = tpu.memref_squeeze %dma_wait3A_80 : memref<1x128xi32, #tpu.memory_space<vmem>> -> memref<128xi32, #tpu.memory_space<vmem>>
    %dma_wait3A_82 = arith.constant 0 : i32
    %dma_wait3A_83 = arith.constant 0 : i32
    %dma_wait3A_84 = tpu.memref_slice %arg3[%dma_wait3A_82, %dma_wait3A_83] : memref<100000x256xf32, #tpu.memory_space<hbm>> -> memref<100000x256xf32, #tpu.memory_space<hbm>>
    tpu.wait_indirect_dma semaphore(%arg8 : memref<!tpu.dma_semaphore, #tpu.memory_space<semaphore_mem>>) src(%dma_wait3A_84 : memref<100000x256xf32, #tpu.memory_space<hbm>>) dst(%arg7 : memref<128x256xf32, #tpu.memory_space<vmem>>)
    %add3A_85 = arith.constant 384 : i32
    %add3A_86 = arith.addi %mul3A_2, %add3A_85 : i32
    %dma_start3A_87 = arith.constant 0 : i32
    %dma_start3A_88 = tpu.memref_slice %arg4[%add3A_86, %dma_start3A_87] : memref<16384x256xf32, #tpu.memory_space<hbm>> -> memref<128x256xf32, #tpu.memory_space<hbm>>
    %dma_start3A_89 = arith.constant 0 : i32
    %dma_start3A_90 = tpu.memref_slice %arg4[%add3A_86, %dma_start3A_89] : memref<16384x256xf32, #tpu.memory_space<hbm>> -> memref<128x256xf32, #tpu.memory_space<hbm>>
    tpu.enqueue_dma source(%arg7 : memref<128x256xf32, #tpu.memory_space<vmem>>) target(%dma_start3A_90 : memref<128x256xf32, #tpu.memory_space<hbm>>) target_semaphore(%arg9 : memref<!tpu.dma_semaphore, #tpu.memory_space<semaphore_mem>>)
    %dma_wait3A_91 = arith.constant 0 : i32
    %dma_wait3A_92 = tpu.memref_slice %arg4[%add3A_62, %dma_wait3A_91] : memref<16384x256xf32, #tpu.memory_space<hbm>> -> memref<128x256xf32, #tpu.memory_space<hbm>>
    %dma_wait3A_93 = arith.constant 0 : i32
    %dma_wait3A_94 = tpu.memref_slice %arg4[%add3A_62, %dma_wait3A_93] : memref<16384x256xf32, #tpu.memory_space<hbm>> -> memref<128x256xf32, #tpu.memory_space<hbm>>
    tpu.wait_dma2 semaphore(%arg9 : memref<!tpu.dma_semaphore, #tpu.memory_space<semaphore_mem>>) src(%arg6 : memref<128x256xf32, #tpu.memory_space<vmem>>) dst(%dma_wait3A_94 : memref<128x256xf32, #tpu.memory_space<hbm>>)
    %dma_wait3A_95 = arith.constant 0 : i32
    %dma_wait3A_96 = tpu.memref_slice %arg4[%add3A_86, %dma_wait3A_95] : memref<16384x256xf32, #tpu.memory_space<hbm>> -> memref<128x256xf32, #tpu.memory_space<hbm>>
    %dma_wait3A_97 = arith.constant 0 : i32
    %dma_wait3A_98 = tpu.memref_slice %arg4[%add3A_86, %dma_wait3A_97] : memref<16384x256xf32, #tpu.memory_space<hbm>> -> memref<128x256xf32, #tpu.memory_space<hbm>>
    tpu.wait_dma2 semaphore(%arg9 : memref<!tpu.dma_semaphore, #tpu.memory_space<semaphore_mem>>) src(%arg7 : memref<128x256xf32, #tpu.memory_space<vmem>>) dst(%dma_wait3A_98 : memref<128x256xf32, #tpu.memory_space<hbm>>)
    return
  }
}

module attributes {stable_mosaic.version = 14 : i64} {
  func.func @_mlp_body(%arg0: i32, %arg1: memref<2048x512xf32, #tpu.memory_space<vmem>>, %arg2: memref<512x1024xbf16, #tpu.memory_space<vmem>>, %arg3: memref<1x1024xf32, #tpu.memory_space<vmem>>, %arg4: memref<1024x1024xbf16, #tpu.memory_space<vmem>>, %arg5: memref<1x1024xf32, #tpu.memory_space<vmem>>, %arg6: memref<1x1024xf32, #tpu.memory_space<vmem>>, %arg7: memref<1x1xf32, #tpu.memory_space<vmem>>, %arg8: memref<2048x1xf32, #tpu.memory_space<vmem>>) attributes {dimension_semantics = [#tpu.dimension_semantics<arbitrary>], iteration_bounds = array<i64: 4>, scalar_prefetch = 0 : i64, scratch_operands = 0 : i64, tpu.core_type = #tpu.core_type<tc>, window_params = [{transform_indices = @transform_0, window_bounds = array<i64: 2048, 512>}, {pipeline_mode = #tpu.pipeline_mode<synchronous>, transform_indices = @transform_1, window_bounds = array<i64: 512, 1024>}, {pipeline_mode = #tpu.pipeline_mode<synchronous>, transform_indices = @transform_2, window_bounds = array<i64: 1, 1024>}, {pipeline_mode = #tpu.pipeline_mode<synchronous>, transform_indices = @transform_3, window_bounds = array<i64: 1024, 1024>}, {pipeline_mode = #tpu.pipeline_mode<synchronous>, transform_indices = @transform_4, window_bounds = array<i64: 1, 1024>}, {pipeline_mode = #tpu.pipeline_mode<synchronous>, transform_indices = @transform_5, window_bounds = array<i64: 1, 1024>}, {pipeline_mode = #tpu.pipeline_mode<synchronous>, transform_indices = @transform_6, window_bounds = array<i64: 1, 1>}, {transform_indices = @transform_7, window_bounds = array<i64: 2048, 1>}]} {
    %get3A = arith.constant 0 : index
    %get3A_0 = arith.constant 0 : index
    %get3A_1 = vector.load %arg1[%get3A, %get3A_0] : memref<2048x512xf32, #tpu.memory_space<vmem>>, vector<512x512xf32>
    %convert_element_type3A = arith.truncf %get3A_1 : vector<512x512xf32> to vector<512x512xbf16>
    %get3A_2 = arith.constant 0 : index
    %get3A_3 = arith.constant 0 : index
    %get3A_4 = vector.load %arg2[%get3A_2, %get3A_3] : memref<512x1024xbf16, #tpu.memory_space<vmem>>, vector<512x1024xbf16>
    %dot_general3A = arith.constant dense<0.000000e+00> : vector<512x1024xf32>
    %dot_general3A_5 = tpu.matmul %convert_element_type3A, %get3A_4, %dot_general3A {dimension_numbers = #tpu.dot_dimension_numbers<[1], [0], [0], [1], [0, 0, 1, 1], [], []>, transpose_lhs_hint = false} : vector<512x512xbf16>, vector<512x1024xbf16>, vector<512x1024xf32> -> vector<512x1024xf32>
    %get3A_6 = arith.constant 0 : index
    %get3A_7 = arith.constant 0 : index
    %get3A_8 = vector.load %arg3[%get3A_6, %get3A_7] : memref<1x1024xf32, #tpu.memory_space<vmem>>, vector<1x1024xf32>
    %add3A = vector.broadcast %get3A_8 : vector<1x1024xf32> to vector<512x1024xf32>
    %add3A_9 = arith.addf %dot_general3A_5, %add3A : vector<512x1024xf32>
    %max3A = arith.constant 0.000000e+00 : f32
    %max3A_10 = vector.broadcast %max3A : f32 to vector<512x1024xf32>
    %max3A_11 = arith.maximumf %add3A_9, %max3A_10 : vector<512x1024xf32>
    %convert_element_type3A_12 = arith.truncf %max3A_11 : vector<512x1024xf32> to vector<512x1024xbf16>
    %get3A_13 = arith.constant 0 : index
    %get3A_14 = arith.constant 0 : index
    %get3A_15 = vector.load %arg4[%get3A_13, %get3A_14] : memref<1024x1024xbf16, #tpu.memory_space<vmem>>, vector<1024x1024xbf16>
    %dot_general3A_16 = arith.constant dense<0.000000e+00> : vector<512x1024xf32>
    %dot_general3A_17 = tpu.matmul %convert_element_type3A_12, %get3A_15, %dot_general3A_16 {dimension_numbers = #tpu.dot_dimension_numbers<[1], [0], [0], [1], [0, 0, 1, 1], [], []>, transpose_lhs_hint = false} : vector<512x1024xbf16>, vector<1024x1024xbf16>, vector<512x1024xf32> -> vector<512x1024xf32>
    %get3A_18 = arith.constant 0 : index
    %get3A_19 = arith.constant 0 : index
    %get3A_20 = vector.load %arg5[%get3A_18, %get3A_19] : memref<1x1024xf32, #tpu.memory_space<vmem>>, vector<1x1024xf32>
    %add3A_21 = vector.broadcast %get3A_20 : vector<1x1024xf32> to vector<512x1024xf32>
    %add3A_22 = arith.addf %dot_general3A_17, %add3A_21 : vector<512x1024xf32>
    %max3A_23 = arith.constant 0.000000e+00 : f32
    %max3A_24 = vector.broadcast %max3A_23 : f32 to vector<512x1024xf32>
    %max3A_25 = arith.maximumf %add3A_22, %max3A_24 : vector<512x1024xf32>
    %get3A_26 = arith.constant 0 : index
    %get3A_27 = arith.constant 0 : index
    %get3A_28 = vector.load %arg6[%get3A_26, %get3A_27] : memref<1x1024xf32, #tpu.memory_space<vmem>>, vector<1x1024xf32>
    %mul3A = vector.broadcast %get3A_28 : vector<1x1024xf32> to vector<512x1024xf32>
    %mul3A_29 = arith.mulf %max3A_25, %mul3A : vector<512x1024xf32>
    %reduce_sum3A = arith.constant dense<0.000000e+00> : vector<512xf32>
    %reduce_sum3A_30 = vector.multi_reduction <add>, %mul3A_29, %reduce_sum3A [1] : vector<512x1024xf32> to vector<512xf32>
    %broadcast_in_dim3A = vector.shape_cast %reduce_sum3A_30 : vector<512xf32> to vector<512x1xf32>
    %get3A_31 = arith.constant 0 : index
    %get3A_32 = arith.constant 0 : index
    %get3A_33 = vector.load %arg7[%get3A_31, %get3A_32] : memref<1x1xf32, #tpu.memory_space<vmem>>, vector<1x1xf32>
    %add3A_34 = vector.broadcast %get3A_33 : vector<1x1xf32> to vector<512x1xf32>
    %add3A_35 = arith.addf %broadcast_in_dim3A, %add3A_34 : vector<512x1xf32>
    %swap3A = arith.constant 0 : index
    %swap3A_36 = arith.constant 0 : index
    %swap3A_37 = vector.load %arg8[%swap3A, %swap3A_36] : memref<2048x1xf32, #tpu.memory_space<vmem>>, vector<512x1xf32>
    tpu.vector_store %arg8[%swap3A, %swap3A_36], %add3A_35 {strides = array<i32>} : memref<2048x1xf32, #tpu.memory_space<vmem>>, vector<512x1xf32>,
    %get3A_38 = arith.constant 512 : index
    %get3A_39 = arith.constant 0 : index
    %get3A_40 = vector.load %arg1[%get3A_38, %get3A_39] : memref<2048x512xf32, #tpu.memory_space<vmem>>, vector<512x512xf32>
    %convert_element_type3A_41 = arith.truncf %get3A_40 : vector<512x512xf32> to vector<512x512xbf16>
    %get3A_42 = arith.constant 0 : index
    %get3A_43 = arith.constant 0 : index
    %get3A_44 = vector.load %arg2[%get3A_42, %get3A_43] : memref<512x1024xbf16, #tpu.memory_space<vmem>>, vector<512x1024xbf16>
    %dot_general3A_45 = arith.constant dense<0.000000e+00> : vector<512x1024xf32>
    %dot_general3A_46 = tpu.matmul %convert_element_type3A_41, %get3A_44, %dot_general3A_45 {dimension_numbers = #tpu.dot_dimension_numbers<[1], [0], [0], [1], [0, 0, 1, 1], [], []>, transpose_lhs_hint = false} : vector<512x512xbf16>, vector<512x1024xbf16>, vector<512x1024xf32> -> vector<512x1024xf32>
    %get3A_47 = arith.constant 0 : index
    %get3A_48 = arith.constant 0 : index
    %get3A_49 = vector.load %arg3[%get3A_47, %get3A_48] : memref<1x1024xf32, #tpu.memory_space<vmem>>, vector<1x1024xf32>
    %add3A_50 = vector.broadcast %get3A_49 : vector<1x1024xf32> to vector<512x1024xf32>
    %add3A_51 = arith.addf %dot_general3A_46, %add3A_50 : vector<512x1024xf32>
    %max3A_52 = arith.constant 0.000000e+00 : f32
    %max3A_53 = vector.broadcast %max3A_52 : f32 to vector<512x1024xf32>
    %max3A_54 = arith.maximumf %add3A_51, %max3A_53 : vector<512x1024xf32>
    %convert_element_type3A_55 = arith.truncf %max3A_54 : vector<512x1024xf32> to vector<512x1024xbf16>
    %get3A_56 = arith.constant 0 : index
    %get3A_57 = arith.constant 0 : index
    %get3A_58 = vector.load %arg4[%get3A_56, %get3A_57] : memref<1024x1024xbf16, #tpu.memory_space<vmem>>, vector<1024x1024xbf16>
    %dot_general3A_59 = arith.constant dense<0.000000e+00> : vector<512x1024xf32>
    %dot_general3A_60 = tpu.matmul %convert_element_type3A_55, %get3A_58, %dot_general3A_59 {dimension_numbers = #tpu.dot_dimension_numbers<[1], [0], [0], [1], [0, 0, 1, 1], [], []>, transpose_lhs_hint = false} : vector<512x1024xbf16>, vector<1024x1024xbf16>, vector<512x1024xf32> -> vector<512x1024xf32>
    %get3A_61 = arith.constant 0 : index
    %get3A_62 = arith.constant 0 : index
    %get3A_63 = vector.load %arg5[%get3A_61, %get3A_62] : memref<1x1024xf32, #tpu.memory_space<vmem>>, vector<1x1024xf32>
    %add3A_64 = vector.broadcast %get3A_63 : vector<1x1024xf32> to vector<512x1024xf32>
    %add3A_65 = arith.addf %dot_general3A_60, %add3A_64 : vector<512x1024xf32>
    %max3A_66 = arith.constant 0.000000e+00 : f32
    %max3A_67 = vector.broadcast %max3A_66 : f32 to vector<512x1024xf32>
    %max3A_68 = arith.maximumf %add3A_65, %max3A_67 : vector<512x1024xf32>
    %get3A_69 = arith.constant 0 : index
    %get3A_70 = arith.constant 0 : index
    %get3A_71 = vector.load %arg6[%get3A_69, %get3A_70] : memref<1x1024xf32, #tpu.memory_space<vmem>>, vector<1x1024xf32>
    %mul3A_72 = vector.broadcast %get3A_71 : vector<1x1024xf32> to vector<512x1024xf32>
    %mul3A_73 = arith.mulf %max3A_68, %mul3A_72 : vector<512x1024xf32>
    %reduce_sum3A_74 = arith.constant dense<0.000000e+00> : vector<512xf32>
    %reduce_sum3A_75 = vector.multi_reduction <add>, %mul3A_73, %reduce_sum3A_74 [1] : vector<512x1024xf32> to vector<512xf32>
    %broadcast_in_dim3A_76 = vector.shape_cast %reduce_sum3A_75 : vector<512xf32> to vector<512x1xf32>
    %get3A_77 = arith.constant 0 : index
    %get3A_78 = arith.constant 0 : index
    %get3A_79 = vector.load %arg7[%get3A_77, %get3A_78] : memref<1x1xf32, #tpu.memory_space<vmem>>, vector<1x1xf32>
    %add3A_80 = vector.broadcast %get3A_79 : vector<1x1xf32> to vector<512x1xf32>
    %add3A_81 = arith.addf %broadcast_in_dim3A_76, %add3A_80 : vector<512x1xf32>
    %swap3A_82 = arith.constant 512 : index
    %swap3A_83 = arith.constant 0 : index
    %swap3A_84 = vector.load %arg8[%swap3A_82, %swap3A_83] : memref<2048x1xf32, #tpu.memory_space<vmem>>, vector<512x1xf32>
    tpu.vector_store %arg8[%swap3A_82, %swap3A_83], %add3A_81 {strides = array<i32>} : memref<2048x1xf32, #tpu.memory_space<vmem>>, vector<512x1xf32>,
    %get3A_85 = arith.constant 1024 : index
    %get3A_86 = arith.constant 0 : index
    %get3A_87 = vector.load %arg1[%get3A_85, %get3A_86] : memref<2048x512xf32, #tpu.memory_space<vmem>>, vector<512x512xf32>
    %convert_element_type3A_88 = arith.truncf %get3A_87 : vector<512x512xf32> to vector<512x512xbf16>
    %get3A_89 = arith.constant 0 : index
    %get3A_90 = arith.constant 0 : index
    %get3A_91 = vector.load %arg2[%get3A_89, %get3A_90] : memref<512x1024xbf16, #tpu.memory_space<vmem>>, vector<512x1024xbf16>
    %dot_general3A_92 = arith.constant dense<0.000000e+00> : vector<512x1024xf32>
    %dot_general3A_93 = tpu.matmul %convert_element_type3A_88, %get3A_91, %dot_general3A_92 {dimension_numbers = #tpu.dot_dimension_numbers<[1], [0], [0], [1], [0, 0, 1, 1], [], []>, transpose_lhs_hint = false} : vector<512x512xbf16>, vector<512x1024xbf16>, vector<512x1024xf32> -> vector<512x1024xf32>
    %get3A_94 = arith.constant 0 : index
    %get3A_95 = arith.constant 0 : index
    %get3A_96 = vector.load %arg3[%get3A_94, %get3A_95] : memref<1x1024xf32, #tpu.memory_space<vmem>>, vector<1x1024xf32>
    %add3A_97 = vector.broadcast %get3A_96 : vector<1x1024xf32> to vector<512x1024xf32>
    %add3A_98 = arith.addf %dot_general3A_93, %add3A_97 : vector<512x1024xf32>
    %max3A_99 = arith.constant 0.000000e+00 : f32
    %max3A_100 = vector.broadcast %max3A_99 : f32 to vector<512x1024xf32>
    %max3A_101 = arith.maximumf %add3A_98, %max3A_100 : vector<512x1024xf32>
    %convert_element_type3A_102 = arith.truncf %max3A_101 : vector<512x1024xf32> to vector<512x1024xbf16>
    %get3A_103 = arith.constant 0 : index
    %get3A_104 = arith.constant 0 : index
    %get3A_105 = vector.load %arg4[%get3A_103, %get3A_104] : memref<1024x1024xbf16, #tpu.memory_space<vmem>>, vector<1024x1024xbf16>
    %dot_general3A_106 = arith.constant dense<0.000000e+00> : vector<512x1024xf32>
    %dot_general3A_107 = tpu.matmul %convert_element_type3A_102, %get3A_105, %dot_general3A_106 {dimension_numbers = #tpu.dot_dimension_numbers<[1], [0], [0], [1], [0, 0, 1, 1], [], []>, transpose_lhs_hint = false} : vector<512x1024xbf16>, vector<1024x1024xbf16>, vector<512x1024xf32> -> vector<512x1024xf32>
    %get3A_108 = arith.constant 0 : index
    %get3A_109 = arith.constant 0 : index
    %get3A_110 = vector.load %arg5[%get3A_108, %get3A_109] : memref<1x1024xf32, #tpu.memory_space<vmem>>, vector<1x1024xf32>
    %add3A_111 = vector.broadcast %get3A_110 : vector<1x1024xf32> to vector<512x1024xf32>
    %add3A_112 = arith.addf %dot_general3A_107, %add3A_111 : vector<512x1024xf32>
    %max3A_113 = arith.constant 0.000000e+00 : f32
    %max3A_114 = vector.broadcast %max3A_113 : f32 to vector<512x1024xf32>
    %max3A_115 = arith.maximumf %add3A_112, %max3A_114 : vector<512x1024xf32>
    %get3A_116 = arith.constant 0 : index
    %get3A_117 = arith.constant 0 : index
    %get3A_118 = vector.load %arg6[%get3A_116, %get3A_117] : memref<1x1024xf32, #tpu.memory_space<vmem>>, vector<1x1024xf32>
    %mul3A_119 = vector.broadcast %get3A_118 : vector<1x1024xf32> to vector<512x1024xf32>
    %mul3A_120 = arith.mulf %max3A_115, %mul3A_119 : vector<512x1024xf32>
    %reduce_sum3A_121 = arith.constant dense<0.000000e+00> : vector<512xf32>
    %reduce_sum3A_122 = vector.multi_reduction <add>, %mul3A_120, %reduce_sum3A_121 [1] : vector<512x1024xf32> to vector<512xf32>
    %broadcast_in_dim3A_123 = vector.shape_cast %reduce_sum3A_122 : vector<512xf32> to vector<512x1xf32>
    %get3A_124 = arith.constant 0 : index
    %get3A_125 = arith.constant 0 : index
    %get3A_126 = vector.load %arg7[%get3A_124, %get3A_125] : memref<1x1xf32, #tpu.memory_space<vmem>>, vector<1x1xf32>
    %add3A_127 = vector.broadcast %get3A_126 : vector<1x1xf32> to vector<512x1xf32>
    %add3A_128 = arith.addf %broadcast_in_dim3A_123, %add3A_127 : vector<512x1xf32>
    %swap3A_129 = arith.constant 1024 : index
    %swap3A_130 = arith.constant 0 : index
    %swap3A_131 = vector.load %arg8[%swap3A_129, %swap3A_130] : memref<2048x1xf32, #tpu.memory_space<vmem>>, vector<512x1xf32>
    tpu.vector_store %arg8[%swap3A_129, %swap3A_130], %add3A_128 {strides = array<i32>} : memref<2048x1xf32, #tpu.memory_space<vmem>>, vector<512x1xf32>,
    %get3A_132 = arith.constant 1536 : index
    %get3A_133 = arith.constant 0 : index
    %get3A_134 = vector.load %arg1[%get3A_132, %get3A_133] : memref<2048x512xf32, #tpu.memory_space<vmem>>, vector<512x512xf32>
    %convert_element_type3A_135 = arith.truncf %get3A_134 : vector<512x512xf32> to vector<512x512xbf16>
    %get3A_136 = arith.constant 0 : index
    %get3A_137 = arith.constant 0 : index
    %get3A_138 = vector.load %arg2[%get3A_136, %get3A_137] : memref<512x1024xbf16, #tpu.memory_space<vmem>>, vector<512x1024xbf16>
    %dot_general3A_139 = arith.constant dense<0.000000e+00> : vector<512x1024xf32>
    %dot_general3A_140 = tpu.matmul %convert_element_type3A_135, %get3A_138, %dot_general3A_139 {dimension_numbers = #tpu.dot_dimension_numbers<[1], [0], [0], [1], [0, 0, 1, 1], [], []>, transpose_lhs_hint = false} : vector<512x512xbf16>, vector<512x1024xbf16>, vector<512x1024xf32> -> vector<512x1024xf32>
    %get3A_141 = arith.constant 0 : index
    %get3A_142 = arith.constant 0 : index
    %get3A_143 = vector.load %arg3[%get3A_141, %get3A_142] : memref<1x1024xf32, #tpu.memory_space<vmem>>, vector<1x1024xf32>
    %add3A_144 = vector.broadcast %get3A_143 : vector<1x1024xf32> to vector<512x1024xf32>
    %add3A_145 = arith.addf %dot_general3A_140, %add3A_144 : vector<512x1024xf32>
    %max3A_146 = arith.constant 0.000000e+00 : f32
    %max3A_147 = vector.broadcast %max3A_146 : f32 to vector<512x1024xf32>
    %max3A_148 = arith.maximumf %add3A_145, %max3A_147 : vector<512x1024xf32>
    %convert_element_type3A_149 = arith.truncf %max3A_148 : vector<512x1024xf32> to vector<512x1024xbf16>
    %get3A_150 = arith.constant 0 : index
    %get3A_151 = arith.constant 0 : index
    %get3A_152 = vector.load %arg4[%get3A_150, %get3A_151] : memref<1024x1024xbf16, #tpu.memory_space<vmem>>, vector<1024x1024xbf16>
    %dot_general3A_153 = arith.constant dense<0.000000e+00> : vector<512x1024xf32>
    %dot_general3A_154 = tpu.matmul %convert_element_type3A_149, %get3A_152, %dot_general3A_153 {dimension_numbers = #tpu.dot_dimension_numbers<[1], [0], [0], [1], [0, 0, 1, 1], [], []>, transpose_lhs_hint = false} : vector<512x1024xbf16>, vector<1024x1024xbf16>, vector<512x1024xf32> -> vector<512x1024xf32>
    %get3A_155 = arith.constant 0 : index
    %get3A_156 = arith.constant 0 : index
    %get3A_157 = vector.load %arg5[%get3A_155, %get3A_156] : memref<1x1024xf32, #tpu.memory_space<vmem>>, vector<1x1024xf32>
    %add3A_158 = vector.broadcast %get3A_157 : vector<1x1024xf32> to vector<512x1024xf32>
    %add3A_159 = arith.addf %dot_general3A_154, %add3A_158 : vector<512x1024xf32>
    %max3A_160 = arith.constant 0.000000e+00 : f32
    %max3A_161 = vector.broadcast %max3A_160 : f32 to vector<512x1024xf32>
    %max3A_162 = arith.maximumf %add3A_159, %max3A_161 : vector<512x1024xf32>
    %get3A_163 = arith.constant 0 : index
    %get3A_164 = arith.constant 0 : index
    %get3A_165 = vector.load %arg6[%get3A_163, %get3A_164] : memref<1x1024xf32, #tpu.memory_space<vmem>>, vector<1x1024xf32>
    %mul3A_166 = vector.broadcast %get3A_165 : vector<1x1024xf32> to vector<512x1024xf32>
    %mul3A_167 = arith.mulf %max3A_162, %mul3A_166 : vector<512x1024xf32>
    %reduce_sum3A_168 = arith.constant dense<0.000000e+00> : vector<512xf32>
    %reduce_sum3A_169 = vector.multi_reduction <add>, %mul3A_167, %reduce_sum3A_168 [1] : vector<512x1024xf32> to vector<512xf32>
    %broadcast_in_dim3A_170 = vector.shape_cast %reduce_sum3A_169 : vector<512xf32> to vector<512x1xf32>
    %get3A_171 = arith.constant 0 : index
    %get3A_172 = arith.constant 0 : index
    %get3A_173 = vector.load %arg7[%get3A_171, %get3A_172] : memref<1x1xf32, #tpu.memory_space<vmem>>, vector<1x1xf32>
    %add3A_174 = vector.broadcast %get3A_173 : vector<1x1xf32> to vector<512x1xf32>
    %add3A_175 = arith.addf %broadcast_in_dim3A_170, %add3A_174 : vector<512x1xf32>
    %swap3A_176 = arith.constant 1536 : index
    %swap3A_177 = arith.constant 0 : index
    %swap3A_178 = vector.load %arg8[%swap3A_176, %swap3A_177] : memref<2048x1xf32, #tpu.memory_space<vmem>>, vector<512x1xf32>
    tpu.vector_store %arg8[%swap3A_176, %swap3A_177], %add3A_175 {strides = array<i32>} : memref<2048x1xf32, #tpu.memory_space<vmem>>, vector<512x1xf32>,
    return
  }
  func.func @transform_0(%arg0: i32) -> (i32, i32) {
    %c0_i32 = arith.constant 0 : i32
    %c0_i32_0 = arith.constant 0 : i32
    return %arg0, %c0_i32 : i32, i32
  }
  func.func @transform_1(%arg0: i32) -> (i32, i32) {
    %c0_i32 = arith.constant 0 : i32
    %c0_i32_0 = arith.constant 0 : i32
    %c0_i32_1 = arith.constant 0 : i32
    return %c0_i32, %c0_i32_0 : i32, i32
  }
  func.func @transform_2(%arg0: i32) -> (i32, i32) {
    %c0_i32 = arith.constant 0 : i32
    %c0_i32_0 = arith.constant 0 : i32
    %c0_i32_1 = arith.constant 0 : i32
    return %c0_i32, %c0_i32_0 : i32, i32
  }
  func.func @transform_3(%arg0: i32) -> (i32, i32) {
    %c0_i32 = arith.constant 0 : i32
    %c0_i32_0 = arith.constant 0 : i32
    %c0_i32_1 = arith.constant 0 : i32
    return %c0_i32, %c0_i32_0 : i32, i32
  }
  func.func @transform_4(%arg0: i32) -> (i32, i32) {
    %c0_i32 = arith.constant 0 : i32
    %c0_i32_0 = arith.constant 0 : i32
    %c0_i32_1 = arith.constant 0 : i32
    return %c0_i32, %c0_i32_0 : i32, i32
  }
  func.func @transform_5(%arg0: i32) -> (i32, i32) {
    %c0_i32 = arith.constant 0 : i32
    %c0_i32_0 = arith.constant 0 : i32
    %c0_i32_1 = arith.constant 0 : i32
    return %c0_i32, %c0_i32_0 : i32, i32
  }
  func.func @transform_6(%arg0: i32) -> (i32, i32) {
    %c0_i32 = arith.constant 0 : i32
    %c0_i32_0 = arith.constant 0 : i32
    %c0_i32_1 = arith.constant 0 : i32
    return %c0_i32, %c0_i32_0 : i32, i32
  }
  func.func @transform_7(%arg0: i32) -> (i32, i32) {
    %c0_i32 = arith.constant 0 : i32
    %c0_i32_0 = arith.constant 0 : i32
    return %arg0, %c0_i32 : i32, i32
  }
}

</mosaic_0001>

<sc_bundles>
// kernel: kernel.6.cloned.1.call-start
scs
__scs_entry_jumppad:
0x0: {  	(pc) =	sbr.rel $0x88, $3  }
0x1: {  	(tag) =	ssettag $0x0;
	lr =	simm.s32 $0x1  }
0x2: {  	[smem:$0x3F99] =	sst lr;
	_ =	strace $0xD0000000  }
0x3: {  	_ = 	snop  }
0x4: {  	_ = 	snop  }
0x5: {  	_ = 	snop  }
0x6: {  	_ = 	snop  }
0x7: {  	_ = 	snop  }
__scs_overlays_trampoline_lowered:
0x8: {  	[smem:$0x3FA8] =	sst s0  }
0x9: {  	[smem:$0x3FA9] =	sst s1  }
0xa: {  	[smem:$0x3FAA] =	sst s2  }
0xb: {  	[smem:$0x3FAB] =	sst s3  }
0xc: {  	[smem:$0x3FAC] =	sst s4  }
0xd: {  	[smem:$0x3FAD] =	sst s5  }
0xe: {  	[smem:$0x3FAE] =	sst s6  }
0xf: {  	[smem:$0x3FAF] =	sst s7  }
0x10: {  	[smem:$0x3FB0] =	sst s8  }
0x11: {  	[smem:$0x3FB1] =	sst s9;
	s0 =	simm.s32 @!p0 $0x0  }
0x12: {  	s1 =	sld [smem:$0x3F97];
	s0 =	simm.s32 @p0 $0x1  }
0x13: {  	[smem:$0x3FB2] =	sst s0;
	s0 =	simm.s32 @!p1 $0x0  }
0x14: {  	s2 =	sld [smem:$0x3F96];
	s0 =	simm.s32 @p1 $0x1  }
0x15: {  	[smem:$0x3FB3] =	sst s0;
	s0 =	simm.s32 @!p2 $0x0  }
0x16: {  	s3 =	sld [smem:$0x3FDB];
	s0 =	simm.s32 @p2 $0x1  }
0x17: {  	s4 =	simm.s32 $0x1BF5;
	[smem:$0x3FB5] =	sst s0  }
0x18: {  	s0 =	sld [smem:$0x3F98];
	_ =	swait.ge [sflag:s4], $0x0  }
0x19: {  	s7 =	sld [smem:$0x3F99]  }
0x1a: {  	s8 =	sadd.s32 $0xFFFFE003, lr  }
0x1b: {  	s9 =	sadd.s32 $0xFFFFFEF7, lr;
	s5 =	simm.s32 $0xFFFFFFFF;
	p2 =	slt.u32 s8, $0xFFFFF086  }
0x1c: {  	p1 =	slt.u32 s9, $0xF7A;
	s5 =	simm.s32 @!p2 $0x0  }
0x1d: {  	s5 =	simm.s32 @p1 $0x1;
	p0 =	seq.s32 s7, s2  }
0x1e: {  	s7 =	smul.u32 @!p0 $0xF7A, s2;
	p2 =	seq.s32 @!p0 s5, $0x0  }
0x1f: {  	s9 =	smul.u32 $0xF7A, s1;
	s8 =	simm.s32 @!p0 $0x1BF5;
	p2 =	por !p2, p0  }
0x20: {  	[sflag:s8] =	ssyncset.s32 @!p0 $0xFFFFF086;
	s6 =	sadd.s32 @!p0 s3, s7;
	s7 =	simm.s32 @!p0 $0x108  }
0x21: {  	s3 =	sadd.s32 s3, s9;
	s6 =	sadd.s32 @!p0 $0x88, s6;
	s7 =	simm.s32 @p2 $0x1082  }
0x22: {  	[simem:s7], [sflag:s8] =	dma.local @!p0 [hbm:s6], $0xF7A  }
0x23: {  	s9 =	sor.u32 $0xD0000000, s2;
	s6 =	simm.s32 $0x108;
	_ =	swait.ge @!p0 [sflag:s8], $0x0  }
0x24: {  	s3 =	sadd.s32 $0x88, s3;
	s6 =	simm.s32 @!p1 $0x1082;
	[sflag:s4] =	ssyncset.s32 $0xFFFFF086  }
0x25: {  	[simem:s6], [sflag:s4] =	dma.local [hbm:s3], $0xF7A  }
0x26: {  	[smem:$0x3F99] =	sst s1;
	(tag) =	ssettag s2;
	_ =	strace s9  }
0x27: {  	s1 =	sld [smem:$0x3FA9]  }
0x28: {  	s2 =	sld [smem:$0x3FAA]  }
0x29: {  	s4 =	sld [smem:$0x3FAC]  }
0x2a: {  	p0 =	seq.s32 s5, $0x0;
	s5 =	sld [smem:$0x3FAD]  }
0x2b: {  	s6 =	sld [smem:$0x3FAE]  }
0x2c: {  	s7 =	sld [smem:$0x3FAF]  }
0x2d: {  	s3 =	simm.s32 $0x108;
	s8 =	sld [smem:$0x3FB0]  }
0x2e: {  	s3 =	simm.s32 @!p0 $0x1082;
	s9 =	sld [smem:$0x3FB1]  }
0x2f: {  	lr =	sadd.s32 s0, s3;
	s0 =	sld [smem:$0x3FA8]  }
0x30: {  	s3 =	sld [smem:$0x3FAB]  }
0x31: {  	[smem:$0x3FB4] =	sst s10  }
0x32: {  	s10 =	sld [smem:$0x3FB2];
	_ =	sdelay $0x3  }
0x33: {  	p0 =	seq.s32 s10, $0x1;
	s10 =	sld [smem:$0x3FB4];
	_ =	sdelay $0x3  }
0x34: {  	[smem:$0x3FB4] =	sst s10  }
0x35: {  	s10 =	sld [smem:$0x3FB3];
	_ =	sdelay $0x3  }
0x36: {  	p1 =	seq.s32 s10, $0x1;
	s10 =	sld [smem:$0x3FB4];
	_ =	sdelay $0x3  }
0x37: {  	[smem:$0x3FB4] =	sst s10  }
0x38: {  	s10 =	sld [smem:$0x3FB5]  }
0x39: {  	_ = 	snop;
	(pc) =	sbr.ind lr, $3  }
0x3a: {  	_ = 	snop  }
0x3b: {  	_ = 	snop  }
0x3c: {  	p2 =	seq.s32 s10, $0x1;
	s10 =	sld [smem:$0x3FB4]  }
0x3d: {  	_ =	shalt  }
0x3e: {  	_ =	shalt  }
0x3f: {  	_ =	shalt  }
0x40: {  	_ =	shalt  }
0x41: {  	_ =	shalt  }
0x42: {  	_ =	shalt  }
0x43: {  	_ =	shalt  }
0x44: {  	_ =	shalt  }
0x45: {  	_ =	shalt  }
0x46: {  	_ =	shalt  }
0x47: {  	_ =	shalt  }
0x48: {  	_ =	shalt  }
0x49: {  	_ =	shalt  }
0x4a: {  	_ =	shalt  }
0x4b: {  	_ =	shalt  }
0x4c: {  	_ =	shalt  }
0x4d: {  	_ =	shalt  }
0x4e: {  	_ =	shalt  }
0x4f: {  	_ =	shalt  }
0x50: {  	_ =	shalt  }
0x51: {  	_ =	shalt  }
0x52: {  	_ =	shalt  }
0x53: {  	_ =	shalt  }
0x54: {  	_ =	shalt  }
0x55: {  	_ =	shalt  }
0x56: {  	_ =	shalt  }
0x57: {  	_ =	shalt  }
0x58: {  	_ =	shalt  }
0x59: {  	_ =	shalt  }
0x5a: {  	_ =	shalt  }
0x5b: {  	_ =	shalt  }
0x5c: {  	_ =	shalt  }
0x5d: {  	_ =	shalt  }
0x5e: {  	_ =	shalt  }
0x5f: {  	_ =	shalt  }
0x60: {  	_ =	shalt  }
0x61: {  	_ =	shalt  }
0x62: {  	_ =	shalt  }
0x63: {  	_ =	shalt  }
0x64: {  	_ =	shalt  }
0x65: {  	_ =	shalt  }
0x66: {  	_ =	shalt  }
0x67: {  	_ =	shalt  }
0x68: {  	_ =	shalt  }
0x69: {  	_ =	shalt  }
0x6a: {  	_ =	shalt  }
0x6b: {  	_ =	shalt  }
0x6c: {  	_ =	shalt  }
0x6d: {  	_ =	shalt  }
0x6e: {  	_ =	shalt  }
0x6f: {  	_ =	shalt  }
0x70: {  	_ =	shalt  }
0x71: {  	_ =	shalt  }
0x72: {  	_ =	shalt  }
0x73: {  	_ =	shalt  }
0x74: {  	_ =	shalt  }
0x75: {  	_ =	shalt  }
0x76: {  	_ =	shalt  }
0x77: {  	_ =	shalt  }
0x78: {  	_ =	shalt  }
0x79: {  	_ =	shalt  }
0x7a: {  	_ =	shalt  }
0x7b: {  	_ =	shalt  }
0x7c: {  	_ =	shalt  }
0x7d: {  	_ =	shalt  }
0x7e: {  	_ =	shalt  }
0x7f: {  	_ =	shalt  }
0x80: {  	_ =	shalt  }
0x81: {  	_ =	shalt  }
0x82: {  	_ =	shalt  }
0x83: {  	_ =	shalt  }
0x84: {  	_ =	shalt  }
0x85: {  	_ =	shalt  }
0x86: {  	_ =	shalt  }
0x87: {  	_ =	shalt  }
.Lfunc_end0:
.L_simem_size_0:
called_computation_lowered:
.L_overlay_start_0:
0x88: {  	s2 =	sld [smem:$0x3FD9]  }
0x89: {  	s3 =	sld [smem:$0x3FFE];
	_ =	sdelay $0x1  }
0x8a: {  	s1 =	srdreg.scid  }
0x8b: {  	s0 =	sand.u32 $0x1, s1  }
0x8c: {  	s17 =	sshll.u32 s0, $0xA;
	s2 =	sadd.s32 s3, s2  }
0x8d: {  	s2 =	sadd.s32 s2, s17  }
0x8e: {  	[smem:$0x3FC0] =	sst s2  }
0x8f: {  	_ = 	snop  }
0x90: {  	s18 =	sld [smem:$0x3FC8];
	(tm) =	ssettm $0x1  }
0x91: {  	s19 =	sld [smem:$0x3FFB];
	_ =	sdelay $0x3  }
0x92: {  	_ =	strace s19  }
0x93: {  	s2 =	sld [smem:$0x3FFC];
	_ =	sdelay $0x3  }
0x94: {  	_ =	strace s2  }
0x95: {  	s2 =	sld [smem:$0x3FFD];
	_ =	sdelay $0x3  }
0x96: {  	_ =	strace s2  }
0x97: {  	_ =	strace $0x8FFFFFFF  }
0x98: {  	s20 =	sld [smem:$0x3FDB];
	_ =	sdelay $0x1  }
0x99: {  	s4 =	simm.s32 $_scs_section_size  }
0x9a: {  	s5 =	simm.s32 $_size__tile_overlayer_lowered;
	s6 =	simm.s32 $_tile_overlayer_lowered  }
0x9b: {  	s7 =	simm.s32 $0x1BFF;
	s21 =	sshll.u32 s6, $0x1;
	s4 =	sadd.s32 s4, s20  }
0x9c: {  	s22 =	simm.s32 $0x0;
	s5 =	sshll.u32 s5, $0x1;
	s6 =	sadd.s32 s21, s4  }
0x9d: {  	[timem:s22], [sflag:s7] =	dma.local [hbm:s6], s5  }
0x9e: {  	_ =	swait.ge [sflag:s7], s5  }
0x9f: {  	s5 =	ssub.s32 $0x0, s5;
	[sflag:s7] =	ssyncset.done $0x0  }
0xa0: {  	[sflag:s7] =	ssyncadd.s32 s5;
	_ =	sdelay $0x1  }
0xa1: {  	s23 =	simm.s32 $0x1B8B  }
0xa2: {  	_ =	swait.ge [sflag:s23], $0x1  }
0xa3: {  	[sflag:s23] =	ssyncset.done $0x0  }
0xa4: {  	[sflag:s23] =	ssyncadd.s32 $0xFFFFFFFF  }
0xa5: {  	s5 =	sld [smem:$0x0]  }
0xa6: {  	s6 =	sand.u32 $0xFFFFFFFE, s1  }
0xa7: {  	p0 =	sne.s32 s1, s6  }
0xa8: {  	s6 =	sshll.u32 @p0 s6, $0xE  }
0xa9: {  	s6 =	sadd.s32 @p0 $0x11B8D, s6;
	s7 =	sshll.u32 @p0 s5, $0x11  }
0xaa: {  	s6 =	sor.u32 @p0 s7, s6  }
0xab: {  	[sflag:s6] =	ssyncadd.remote.s32 @p0 $0x1;
	_ =	sdelay $0x1  }
0xac: {  	s6 =	simm.s32 @p0 $0x1B8D  }
0xad: {  	_ =	swait.eq @p0 [sflag:s6], $0x1  }
0xae: {  	[sflag:s6] =	ssyncadd.s32 @p0 $0xFFFFFFFF  }
0xaf: {  	s7 =	sshll.u32 @!p0 s1, $0xE  }
0xb0: {  	s7 =	sor.u32 @!p0 $0x4000, s7;
	s6 =	simm.s32 @!p0 $0x1B8D  }
0xb1: {  	s5 =	sshll.u32 @!p0 s5, $0x11;
	s7 =	sadd.s32 @!p0 $0x11B8D, s7;
	_ =	swait.eq @!p0 [sflag:s6], $0x1  }
0xb2: {  	s5 =	sor.u32 @!p0 s5, s7;
	[sflag:s6] =	ssyncadd.s32 @!p0 $0xFFFFFFFF  }
0xb3: {  	s25 =	simm.s32 $0x1B8E;
	s24 =	sld [smem:$0x3FFE];
	[sflag:s5] =	ssyncadd.remote.s32 @!p0 $0x1  }
0xb4: {  	s26 =	simm.s32 $execute0_lowered;
	[smem:$0x3FD2] =	sst s25  }
0xb5: {  	s6 =	sshll.u32 s26, $0x1;
	_ =	strace $0x80000049;
	[dreg:$0x1] =	wrdreg $0xFFFFFFFF  }
0xb6: {  	s28 =	simm.s32 $_size_execute0_lowered;
	s4 =	sadd.s32 s4, s6;
	[dreg:$0x0] =	wrdreg $0x0  }
0xb7: {  	s6 =	sshll.u32 s28, $0x1;
	[dreg:$0x2] =	wrdreg s4  }
0xb8: {  	[dreg:$0x3] =	wrdreg s6  }
0xb9: {  	[dreg:$0x4] =	wrdreg $0xC0  }
0xba: {  	_ =	task [dreg:s22], $0x5FFFF  }
0xbb: {  	[dreg:$0x1] =	wrdreg $0xFFFFFFFF  }
0xbc: {  	[dreg:$0x0] =	wrdreg $0x60  }
0xbd: {  	[dreg:$0x2] =	wrdreg s24  }
0xbe: {  	[dreg:$0x3] =	wrdreg s18  }
0xbf: {  	[dreg:$0x4] =	wrdreg $0x9  }
0xc0: {  	_ =	task.clear_ibuf [dreg:s22], $0x5FFFF;
	_ =	strace $0x90000049  }
0xc1: {  	s29 =	simm.s32 $0x9;
	_ =	strace $0x8000004B  }
0xc2: {  	_ =	swait.ge [sflag:s29], $0x1  }
0xc3: {  	[sflag:s29] =	ssyncadd.s32 $0xFFFFFFFF  }
0xc4: {  	_ =	strace $0x9000004B  }
0xc5: {  	_ =	sfence  }
0xc6: {  	s30 =	sld [smem:$0x0];
	_ =	sdelay $0x2  }
0xc7: {  	s31 =	sshll.u32 s1, $0xD;
	s1 =	sshrl.u32 s1, $0x2  }
0xc8: {  	s4 =	sand.u32 $0x4000, s31;
	s1 =	sadd.s32 s1, s30  }
0xc9: {  	s0 =	sor.u32 s4, s0;
	s1 =	sshll.u32 s1, $0x11  }
0xca: {  	s0 =	sor.u32 s1, s0  }
0xcb: {  	s0 =	sadd.s32 $0x8F2B, s0  }
0xcc: {  	[sflag:s0] =	ssyncadd.remote.s32 $0x1  }
0xcd: {  	_ =	sfence.sel $0xFFFF  }
0xce: {  	[dreg:$0x0] =	wrdreg $0xFFFFFFFF;
	(pc) =	sbr.abs _section_cstart, $3  }
0xcf: {  	[dreg:$0x1] =	wrdreg $0xFFFFFFFF  }
0xd0: {  	_ =	task.clear_ibuf [dreg:s22], $0x2FFFF;
	_ =	strace $0x9FFFFFFF  }
0xd1: {  	(tm) =	ssettm $0x7FFFFFFF  }
tec
execute0_lowered:
.L_overlay_start_1:
0x0: {  	(tag) =	ssettag $0x1  }
0x1: {  	s0 =	rddreg [dreg:$0x0]  }
0x2: {  	s2 =	srdreg.scid;
	s1 =	rddreg [dreg:$0x1]  }
0x3: {  	s3 =	simm.s32 $0x0;
	s7 =	stileid.u32;
	s22 =	simm.s32 $0x1  }
0x4: {  	s13 =	simm.s32 $0x2;
	s15 =	simm.s32 $0xA00;
	s16 =	simm.s32 $0x1200  }
0x5: {  	s17 =	simm.s32 $0x1A00;
	s18 =	simm.s32 $0x2200;
	s19 =	simm.s32 $0x2A00  }
0x6: {  	s20 =	simm.s32 $0x3200;
	s21 =	simm.s32 $0x3A00;
	s28 =	simm.s32 $0x5A00  }
0x7: {  	s29 =	simm.s32 $0x6200;
	s30 =	simm.s32 $0x6A00;
	s31 =	simm.s32 $0x7200  }
0x8: {  	s8 =	simm.s32 $0x9A00;
	s9 =	simm.s32 $0xA200;
	s10 =	simm.s32 $0xAA00  }
0x9: {  	s11 =	simm.s32 $0xB200;
	s12 =	simm.s32 $0xBA00;
	s2 =	sand.u32 $0x1, s2  }
0xa: {  	s5 =	sshll.u32 s7, $0xF;
	s7 =	sshll.u32 s7, $0x7;
	s4 =	sshll.u32 s2, $0x6  }
0xb: {  	[smem:$0x7FF] =	sst s3;
	s6 =	sshll.u32 s2, $0xE;
	s4 =	sadd.s32 s4, s0  }
0xc: {  	_ =	strace $0x8000004A;
	s5 =	sor.u32 s6, s5;
	s4 =	sadd.s32 s7, s4  }
0xd: {  	s2 =	ssub.s32 $0x2, s2;
	s0 =	sadd.s32 s5, s0;
	s4 =	sadd.s32 $0x81600, s4  }
0xe: {  	s26 =	sshrl.u32 s2, $0x1;
	s23 =	sadd.s32 $0x81E00, s0;
	[dreg:$0x3] =	wrdreg s4  }
0xf: {  	s6 =	simm.s32 $0xCA00;
	s24 =	sadd.s32 $0x82E00, s0;
	[dreg:$0x4] =	wrdreg s23  }
0x10: {  	s2 =	ssub.s32 s2, s26;
	s25 =	sadd.s32 $0x83E00, s0;
	[dreg:$0x5] =	wrdreg s24  }
0x11: {  	v2 =	vlaneseq.u32;
	s26 =	simm.s32 $0x5200;
	s0 =	sadd.s32 $0x84E00, s0;
	[dreg:$0x6] =	wrdreg s25  }
0x12: {  	vm0 =	vmmov $0xffff;
	v1 =	vshrl.u32 v2, $0x3;
	s7 =	simm.s32 $0x9200;
	[dreg:$0x7] =	wrdreg s0;
	s4 =	smax.u32 s2, $0x1  }
0x13: {  	v0 =	vand.u32 $0x7, v2;
	v2 =	vor.u32 $0x8, v2;
	v1 =	vmul.u32 $0x8, v1;
	s23 =	simm.s32 $0x200;
	s24 =	simm.s32 $0x4200;
	s25 =	simm.s32 $0x4A00  }
.LBB2_1:
0x14: {  	s14 =	rddreg [dreg:$0x3];
	s0 =	simm.s32 $0x3  }
0x15: {  	[tilespmem:s3], [sflag:$0x3] =	stream.linear.gather [hbm4b:s14+s3], $0x200, $0x38;
	[tilespmem:$0x10200] =	vst v63  }
0x16: {  	_ =	swait.ge [sflag:s0], $0x200  }
0x17: {  	[sflag:s0] =	ssyncset.done $0x0  }
0x18: {  	[sflag:s0] =	ssyncadd.s32 $0xFFFFFE00  }
0x19: {  	v3 =	vld [tilespmem:$0x0];
	_ =	sdelay $0x4  }
0x1a: {  	v4 =	vshll.u32 v3, $0x1  }
0x1b: {  	v3 =	vand.u32 $0x7, v3;
	v4 =	vand.u32 $0xFFFFFFF0, v4  }
0x1c: {  	v3 =	vor.u32 v3, v4  }
0x1d: {  	v4 =	vperm.xlane v3, v0;
	_ =	sdelay $0x1  }
0x1e: {  	v3 =	vperm.xlane v3, v2;
	v4 =	vadd.s32 v1, v4;
	_ =	sdelay $0x1  }
0x1f: {  	v3 =	vadd.s32 v1, v3;
	_ =	sdelay $0x2  }
0x20: {  	[tilespmem:s23], [sflag:$0x1] =	stream.indirect_vreg.gather [hbm4b:s1+s3], $0x80, v4, vm0, $0xb8;
	[tilespmem:$0x10200] =	vst v63  }
0x21: {  	_ = 	snop  }
0x22: {  	[tilespmem:s15], [sflag:$0x1] =	stream.indirect_vreg.gather [hbm4b:s1+s3], $0x80, v3, vm0, $0xb8;
	[tilespmem:$0x10200] =	vst v63  }
0x23: {  	v3 =	vld [tilespmem:$0x10];
	_ =	sdelay $0x4  }
0x24: {  	v33 =	vshll.u32 v3, $0x1  }
0x25: {  	v3 =	vand.u32 $0x7, v3;
	v4 =	vand.u32 $0xFFFFFFF0, v33  }
0x26: {  	v3 =	vor.u32 v3, v4  }
0x27: {  	v4 =	vperm.xlane v3, v0;
	_ =	sdelay $0x1  }
0x28: {  	v3 =	vperm.xlane v3, v2;
	v4 =	vadd.s32 v1, v4;
	_ =	sdelay $0x1  }
0x29: {  	v3 =	vadd.s32 v1, v3;
	_ =	sdelay $0x2  }
0x2a: {  	[tilespmem:s16], [sflag:$0x1] =	stream.indirect_vreg.gather [hbm4b:s1+s3], $0x80, v4, vm0, $0xb8;
	[tilespmem:$0x10200] =	vst v63  }
0x2b: {  	_ = 	snop  }
0x2c: {  	[tilespmem:s17], [sflag:$0x1] =	stream.indirect_vreg.gather [hbm4b:s1+s3], $0x80, v3, vm0, $0xb8;
	[tilespmem:$0x10200] =	vst v63  }
0x2d: {  	v3 =	vld [tilespmem:$0x20];
	_ =	sdelay $0x4  }
0x2e: {  	v34 =	vshll.u32 v3, $0x1  }
0x2f: {  	v3 =	vand.u32 $0x7, v3;
	v4 =	vand.u32 $0xFFFFFFF0, v34  }
0x30: {  	v3 =	vor.u32 v3, v4  }
0x31: {  	v4 =	vperm.xlane v3, v0;
	_ =	sdelay $0x1  }
0x32: {  	v3 =	vperm.xlane v3, v2;
	v4 =	vadd.s32 v1, v4;
	_ =	sdelay $0x1  }
0x33: {  	v3 =	vadd.s32 v1, v3;
	_ =	sdelay $0x2  }
0x34: {  	[tilespmem:s18], [sflag:$0x1] =	stream.indirect_vreg.gather [hbm4b:s1+s3], $0x80, v4, vm0, $0xb8;
	[tilespmem:$0x10200] =	vst v63  }
0x35: {  	_ = 	snop  }
0x36: {  	[tilespmem:s19], [sflag:$0x1] =	stream.indirect_vreg.gather [hbm4b:s1+s3], $0x80, v3, vm0, $0xb8;
	[tilespmem:$0x10200] =	vst v63  }
0x37: {  	v3 =	vld [tilespmem:$0x30];
	_ =	sdelay $0x4  }
0x38: {  	v35 =	vshll.u32 v3, $0x1  }
0x39: {  	v3 =	vand.u32 $0x7, v3;
	v4 =	vand.u32 $0xFFFFFFF0, v35  }
0x3a: {  	v3 =	vor.u32 v3, v4  }
0x3b: {  	v4 =	vperm.xlane v3, v0;
	_ =	sdelay $0x1  }
0x3c: {  	v3 =	vperm.xlane v3, v2;
	v4 =	vadd.s32 v1, v4;
	_ =	sdelay $0x1  }
0x3d: {  	v3 =	vadd.s32 v1, v3;
	_ =	sdelay $0x2  }
0x3e: {  	[tilespmem:s20], [sflag:$0x1] =	stream.indirect_vreg.gather [hbm4b:s1+s3], $0x80, v4, vm0, $0xb8;
	[tilespmem:$0x10200] =	vst v63  }
0x3f: {  	_ = 	snop  }
0x40: {  	[tilespmem:s21], [sflag:$0x1] =	stream.indirect_vreg.gather [hbm4b:s1+s3], $0x80, v3, vm0, $0xb8;
	[tilespmem:$0x10200] =	vst v63  }
0x41: {  	v3 =	vld [tilespmem:$0x40];
	_ =	sdelay $0x4  }
0x42: {  	v36 =	vshll.u32 v3, $0x1  }
0x43: {  	v3 =	vand.u32 $0x7, v3;
	v4 =	vand.u32 $0xFFFFFFF0, v36  }
0x44: {  	v3 =	vor.u32 v3, v4  }
0x45: {  	v4 =	vperm.xlane v3, v0;
	_ =	sdelay $0x1  }
0x46: {  	v3 =	vperm.xlane v3, v2;
	v4 =	vadd.s32 v1, v4;
	_ =	sdelay $0x1  }
0x47: {  	v3 =	vadd.s32 v1, v3;
	_ =	sdelay $0x2  }
0x48: {  	[tilespmem:s24], [sflag:$0x1] =	stream.indirect_vreg.gather [hbm4b:s1+s3], $0x80, v4, vm0, $0xb8;
	[tilespmem:$0x10200] =	vst v63  }
0x49: {  	_ = 	snop  }
0x4a: {  	[tilespmem:s25], [sflag:$0x1] =	stream.indirect_vreg.gather [hbm4b:s1+s3], $0x80, v3, vm0, $0xb8;
	[tilespmem:$0x10200] =	vst v63  }
0x4b: {  	v3 =	vld [tilespmem:$0x50];
	_ =	sdelay $0x4  }
0x4c: {  	v37 =	vshll.u32 v3, $0x1  }
0x4d: {  	v3 =	vand.u32 $0x7, v3;
	v4 =	vand.u32 $0xFFFFFFF0, v37  }
0x4e: {  	v3 =	vor.u32 v3, v4  }
0x4f: {  	v4 =	vperm.xlane v3, v0;
	_ =	sdelay $0x1  }
0x50: {  	v3 =	vperm.xlane v3, v2;
	v4 =	vadd.s32 v1, v4;
	_ =	sdelay $0x1  }
0x51: {  	v3 =	vadd.s32 v1, v3;
	_ =	sdelay $0x2  }
0x52: {  	[tilespmem:s26], [sflag:$0x1] =	stream.indirect_vreg.gather [hbm4b:s1+s3], $0x80, v4, vm0, $0xb8;
	[tilespmem:$0x10200] =	vst v63  }
0x53: {  	_ = 	snop  }
0x54: {  	[tilespmem:s28], [sflag:$0x1] =	stream.indirect_vreg.gather [hbm4b:s1+s3], $0x80, v3, vm0, $0xb8;
	[tilespmem:$0x10200] =	vst v63  }
0x55: {  	v3 =	vld [tilespmem:$0x60];
	_ =	sdelay $0x4  }
0x56: {  	v38 =	vshll.u32 v3, $0x1  }
0x57: {  	v3 =	vand.u32 $0x7, v3;
	v4 =	vand.u32 $0xFFFFFFF0, v38  }
0x58: {  	v3 =	vor.u32 v3, v4  }
0x59: {  	v4 =	vperm.xlane v3, v0;
	_ =	sdelay $0x1  }
0x5a: {  	v3 =	vperm.xlane v3, v2;
	v4 =	vadd.s32 v1, v4;
	_ =	sdelay $0x1  }
0x5b: {  	v3 =	vadd.s32 v1, v3;
	_ =	sdelay $0x2  }
0x5c: {  	[tilespmem:s29], [sflag:$0x1] =	stream.indirect_vreg.gather [hbm4b:s1+s3], $0x80, v4, vm0, $0xb8;
	[tilespmem:$0x10200] =	vst v63  }
0x5d: {  	_ = 	snop  }
0x5e: {  	[tilespmem:s30], [sflag:$0x1] =	stream.indirect_vreg.gather [hbm4b:s1+s3], $0x80, v3, vm0, $0xb8;
	[tilespmem:$0x10200] =	vst v63  }
0x5f: {  	v3 =	vld [tilespmem:$0x70];
	_ =	sdelay $0x4  }
0x60: {  	v39 =	vshll.u32 v3, $0x1  }
0x61: {  	v3 =	vand.u32 $0x7, v3;
	v4 =	vand.u32 $0xFFFFFFF0, v39  }
0x62: {  	v3 =	vor.u32 v3, v4  }
0x63: {  	v4 =	vperm.xlane v3, v0;
	_ =	sdelay $0x1  }
0x64: {  	v3 =	vperm.xlane v3, v2;
	v4 =	vadd.s32 v1, v4;
	_ =	sdelay $0x1  }
0x65: {  	v3 =	vadd.s32 v1, v3;
	_ =	sdelay $0x2  }
0x66: {  	[tilespmem:s31], [sflag:$0x1] =	stream.indirect_vreg.gather [hbm4b:s1+s3], $0x80, v4, vm0, $0xb8;
	[tilespmem:$0x10200] =	vst v63  }
0x67: {  	s2 =	simm.s32 $0x7A00  }
0x68: {  	[tilespmem:s2], [sflag:$0x1] =	stream.indirect_vreg.gather [hbm4b:s1+s3], $0x80, v3, vm0, $0xb8;
	[tilespmem:$0x10200] =	vst v63  }
0x69: {  	_ =	swait.ge [sflag:s22], $0x8000  }
0x6a: {  	[sflag:s22] =	ssyncset.done $0x0  }
0x6b: {  	s0 =	rddreg [dreg:$0x4];
	[sflag:s22] =	ssyncadd.s32 $0xFFFF8000  }
0x6c: {  	[hbm4b:s0+s3] =	stream.linear.scatter [tilespmem:s23], [sflag:$0x2], $0x8000, $0x38;
	[tilespmem:$0x10200] =	vst v63  }
0x6d: {  	v3 =	vld [tilespmem:$0x80];
	_ =	sdelay $0x4  }
0x6e: {  	v40 =	vshll.u32 v3, $0x1  }
0x6f: {  	v3 =	vand.u32 $0x7, v3;
	v4 =	vand.u32 $0xFFFFFFF0, v40  }
0x70: {  	v3 =	vor.u32 v3, v4  }
0x71: {  	v4 =	vperm.xlane v3, v0;
	_ =	sdelay $0x1  }
0x72: {  	v3 =	vperm.xlane v3, v2;
	v4 =	vadd.s32 v1, v4;
	_ =	sdelay $0x1  }
0x73: {  	v3 =	vadd.s32 v1, v3;
	_ =	sdelay $0x1  }
0x74: {  	s0 =	simm.s32 $0x8200  }
0x75: {  	[tilespmem:s0], [sflag:$0x1] =	stream.indirect_vreg.gather [hbm4b:s1+s3], $0x80, v4, vm0, $0xb8;
	[tilespmem:$0x10200] =	vst v63  }
0x76: {  	s5 =	simm.s32 $0x8A00  }
0x77: {  	[tilespmem:s5], [sflag:$0x1] =	stream.indirect_vreg.gather [hbm4b:s1+s3], $0x80, v3, vm0, $0xb8;
	[tilespmem:$0x10200] =	vst v63  }
0x78: {  	v3 =	vld [tilespmem:$0x90];
	_ =	sdelay $0x4  }
0x79: {  	v41 =	vshll.u32 v3, $0x1  }
0x7a: {  	v3 =	vand.u32 $0x7, v3;
	v4 =	vand.u32 $0xFFFFFFF0, v41  }
0x7b: {  	v3 =	vor.u32 v3, v4  }
0x7c: {  	v4 =	vperm.xlane v3, v0;
	_ =	sdelay $0x1  }
0x7d: {  	v3 =	vperm.xlane v3, v2;
	v4 =	vadd.s32 v1, v4;
	_ =	sdelay $0x1  }
0x7e: {  	v3 =	vadd.s32 v1, v3;
	_ =	sdelay $0x2  }
0x7f: {  	[tilespmem:s7], [sflag:$0x1] =	stream.indirect_vreg.gather [hbm4b:s1+s3], $0x80, v4, vm0, $0xb8;
	[tilespmem:$0x10200] =	vst v63  }
0x80: {  	_ = 	snop  }
0x81: {  	[tilespmem:s8], [sflag:$0x1] =	stream.indirect_vreg.gather [hbm4b:s1+s3], $0x80, v3, vm0, $0xb8;
	[tilespmem:$0x10200] =	vst v63  }
0x82: {  	v3 =	vld [tilespmem:$0xA0];
	_ =	sdelay $0x4  }
0x83: {  	v42 =	vshll.u32 v3, $0x1  }
0x84: {  	v3 =	vand.u32 $0x7, v3;
	v4 =	vand.u32 $0xFFFFFFF0, v42  }
0x85: {  	v3 =	vor.u32 v3, v4  }
0x86: {  	v4 =	vperm.xlane v3, v0;
	_ =	sdelay $0x1  }
0x87: {  	v3 =	vperm.xlane v3, v2;
	v4 =	vadd.s32 v1, v4;
	_ =	sdelay $0x1  }
0x88: {  	v3 =	vadd.s32 v1, v3;
	_ =	sdelay $0x2  }
0x89: {  	[tilespmem:s9], [sflag:$0x1] =	stream.indirect_vreg.gather [hbm4b:s1+s3], $0x80, v4, vm0, $0xb8;
	[tilespmem:$0x10200] =	vst v63  }
0x8a: {  	_ = 	snop  }
0x8b: {  	[tilespmem:s10], [sflag:$0x1] =	stream.indirect_vreg.gather [hbm4b:s1+s3], $0x80, v3, vm0, $0xb8;
	[tilespmem:$0x10200] =	vst v63  }
0x8c: {  	v3 =	vld [tilespmem:$0xB0];
	_ =	sdelay $0x4  }
0x8d: {  	v43 =	vshll.u32 v3, $0x1  }
0x8e: {  	v3 =	vand.u32 $0x7, v3;
	v4 =	vand.u32 $0xFFFFFFF0, v43  }
0x8f: {  	v3 =	vor.u32 v3, v4  }
0x90: {  	v4 =	vperm.xlane v3, v0;
	_ =	sdelay $0x1  }
0x91: {  	v3 =	vperm.xlane v3, v2;
	v4 =	vadd.s32 v1, v4;
	_ =	sdelay $0x1  }
0x92: {  	v3 =	vadd.s32 v1, v3;
	_ =	sdelay $0x2  }
0x93: {  	[tilespmem:s11], [sflag:$0x1] =	stream.indirect_vreg.gather [hbm4b:s1+s3], $0x80, v4, vm0, $0xb8;
	[tilespmem:$0x10200] =	vst v63  }
0x94: {  	_ = 	snop  }
0x95: {  	[tilespmem:s12], [sflag:$0x1] =	stream.indirect_vreg.gather [hbm4b:s1+s3], $0x80, v3, vm0, $0xb8;
	[tilespmem:$0x10200] =	vst v63  }
0x96: {  	v3 =	vld [tilespmem:$0xC0];
	_ =	sdelay $0x4  }
0x97: {  	v44 =	vshll.u32 v3, $0x1  }
0x98: {  	v3 =	vand.u32 $0x7, v3;
	v4 =	vand.u32 $0xFFFFFFF0, v44  }
0x99: {  	v3 =	vor.u32 v3, v4  }
0x9a: {  	v4 =	vperm.xlane v3, v0;
	_ =	sdelay $0x1  }
0x9b: {  	v3 =	vperm.xlane v3, v2;
	v4 =	vadd.s32 v1, v4;
	_ =	sdelay $0x1  }
0x9c: {  	v3 =	vadd.s32 v1, v3;
	_ =	sdelay $0x1  }
0x9d: {  	s5 =	simm.s32 $0xC200  }
0x9e: {  	[tilespmem:s5], [sflag:$0x1] =	stream.indirect_vreg.gather [hbm4b:s1+s3], $0x80, v4, vm0, $0xb8;
	[tilespmem:$0x10200] =	vst v63  }
0x9f: {  	_ = 	snop  }
0xa0: {  	[tilespmem:s6], [sflag:$0x1] =	stream.indirect_vreg.gather [hbm4b:s1+s3], $0x80, v3, vm0, $0xb8;
	[tilespmem:$0x10200] =	vst v63  }
0xa1: {  	v3 =	vld [tilespmem:$0xD0];
	_ =	sdelay $0x4  }
0xa2: {  	v45 =	vshll.u32 v3, $0x1  }
0xa3: {  	v3 =	vand.u32 $0x7, v3;
	v4 =	vand.u32 $0xFFFFFFF0, v45  }
0xa4: {  	v3 =	vor.u32 v3, v4  }
0xa5: {  	v4 =	vperm.xlane v3, v0;
	_ =	sdelay $0x1  }
0xa6: {  	v3 =	vperm.xlane v3, v2;
	v4 =	vadd.s32 v1, v4;
	_ =	sdelay $0x1  }
0xa7: {  	v3 =	vadd.s32 v1, v3;
	_ =	sdelay $0x1  }
0xa8: {  	s14 =	simm.s32 $0xD200  }
0xa9: {  	[tilespmem:s14], [sflag:$0x1] =	stream.indirect_vreg.gather [hbm4b:s1+s3], $0x80, v4, vm0, $0xb8;
	[tilespmem:$0x10200] =	vst v63  }
0xaa: {  	s14 =	simm.s32 $0xDA00  }
0xab: {  	[tilespmem:s14], [sflag:$0x1] =	stream.indirect_vreg.gather [hbm4b:s1+s3], $0x80, v3, vm0, $0xb8;
	[tilespmem:$0x10200] =	vst v63  }
0xac: {  	v3 =	vld [tilespmem:$0xE0];
	_ =	sdelay $0x4  }
0xad: {  	v46 =	vshll.u32 v3, $0x1  }
0xae: {  	v3 =	vand.u32 $0x7, v3;
	v4 =	vand.u32 $0xFFFFFFF0, v46  }
0xaf: {  	v3 =	vor.u32 v3, v4  }
0xb0: {  	v4 =	vperm.xlane v3, v0;
	_ =	sdelay $0x1  }
0xb1: {  	v3 =	vperm.xlane v3, v2;
	v4 =	vadd.s32 v1, v4;
	_ =	sdelay $0x1  }
0xb2: {  	v3 =	vadd.s32 v1, v3;
	_ =	sdelay $0x1  }
0xb3: {  	s14 =	simm.s32 $0xE200  }
0xb4: {  	[tilespmem:s14], [sflag:$0x1] =	stream.indirect_vreg.gather [hbm4b:s1+s3], $0x80, v4, vm0, $0xb8;
	[tilespmem:$0x10200] =	vst v63  }
0xb5: {  	s14 =	simm.s32 $0xEA00  }
0xb6: {  	[tilespmem:s14], [sflag:$0x1] =	stream.indirect_vreg.gather [hbm4b:s1+s3], $0x80, v3, vm0, $0xb8;
	[tilespmem:$0x10200] =	vst v63  }
0xb7: {  	v3 =	vld [tilespmem:$0xF0];
	_ =	sdelay $0x4  }
0xb8: {  	v47 =	vshll.u32 v3, $0x1  }
0xb9: {  	v3 =	vand.u32 $0x7, v3;
	v4 =	vand.u32 $0xFFFFFFF0, v47  }
0xba: {  	v3 =	vor.u32 v3, v4  }
0xbb: {  	v4 =	vperm.xlane v3, v0;
	_ =	sdelay $0x1  }
0xbc: {  	v3 =	vperm.xlane v3, v2;
	v4 =	vadd.s32 v1, v4;
	_ =	sdelay $0x1  }
0xbd: {  	v3 =	vadd.s32 v1, v3;
	_ =	sdelay $0x1  }
0xbe: {  	s14 =	simm.s32 $0xF200  }
0xbf: {  	[tilespmem:s14], [sflag:$0x1] =	stream.indirect_vreg.gather [hbm4b:s1+s3], $0x80, v4, vm0, $0xb8;
	[tilespmem:$0x10200] =	vst v63  }
0xc0: {  	s14 =	simm.s32 $0xFA00  }
0xc1: {  	[tilespmem:s14], [sflag:$0x1] =	stream.indirect_vreg.gather [hbm4b:s1+s3], $0x80, v3, vm0, $0xb8;
	[tilespmem:$0x10200] =	vst v63  }
0xc2: {  	_ =	swait.ge [sflag:s22], $0x8000  }
0xc3: {  	[sflag:s22] =	ssyncset.done $0x0  }
0xc4: {  	s14 =	rddreg [dreg:$0x5];
	[sflag:s22] =	ssyncadd.s32 $0xFFFF8000  }
0xc5: {  	[hbm4b:s14+s3] =	stream.linear.scatter [tilespmem:s0], [sflag:$0x2], $0x8000, $0x38;
	[tilespmem:$0x10200] =	vst v63  }
0xc6: {  	_ =	swait.ge [sflag:s13], $0x8000  }
0xc7: {  	[sflag:s13] =	ssyncset.done $0x0  }
0xc8: {  	[sflag:s13] =	ssyncadd.s32 $0xFFFF8000  }
0xc9: {  	v3 =	vld [tilespmem:$0x100];
	_ =	sdelay $0x4  }
0xca: {  	v48 =	vshll.u32 v3, $0x1  }
0xcb: {  	v3 =	vand.u32 $0x7, v3;
	v4 =	vand.u32 $0xFFFFFFF0, v48  }
0xcc: {  	v3 =	vor.u32 v3, v4  }
0xcd: {  	v4 =	vperm.xlane v3, v0;
	_ =	sdelay $0x1  }
0xce: {  	v3 =	vperm.xlane v3, v2;
	v4 =	vadd.s32 v1, v4;
	_ =	sdelay $0x1  }
0xcf: {  	v3 =	vadd.s32 v1, v3;
	_ =	sdelay $0x2  }
0xd0: {  	[tilespmem:s23], [sflag:$0x1] =	stream.indirect_vreg.gather [hbm4b:s1+s3], $0x80, v4, vm0, $0xb8;
	[tilespmem:$0x10200] =	vst v63  }
0xd1: {  	_ = 	snop  }
0xd2: {  	[tilespmem:s15], [sflag:$0x1] =	stream.indirect_vreg.gather [hbm4b:s1+s3], $0x80, v3, vm0, $0xb8;
	[tilespmem:$0x10200] =	vst v63  }
0xd3: {  	v3 =	vld [tilespmem:$0x110];
	_ =	sdelay $0x4  }
0xd4: {  	v49 =	vshll.u32 v3, $0x1  }
0xd5: {  	v3 =	vand.u32 $0x7, v3;
	v4 =	vand.u32 $0xFFFFFFF0, v49  }
0xd6: {  	v3 =	vor.u32 v3, v4  }
0xd7: {  	v4 =	vperm.xlane v3, v0;
	_ =	sdelay $0x1  }
0xd8: {  	v3 =	vperm.xlane v3, v2;
	v4 =	vadd.s32 v1, v4;
	_ =	sdelay $0x1  }
0xd9: {  	v3 =	vadd.s32 v1, v3;
	_ =	sdelay $0x2  }
0xda: {  	[tilespmem:s16], [sflag:$0x1] =	stream.indirect_vreg.gather [hbm4b:s1+s3], $0x80, v4, vm0, $0xb8;
	[tilespmem:$0x10200] =	vst v63  }
0xdb: {  	_ = 	snop  }
0xdc: {  	[tilespmem:s17], [sflag:$0x1] =	stream.indirect_vreg.gather [hbm4b:s1+s3], $0x80, v3, vm0, $0xb8;
	[tilespmem:$0x10200] =	vst v63  }
0xdd: {  	v3 =	vld [tilespmem:$0x120];
	_ =	sdelay $0x4  }
0xde: {  	v50 =	vshll.u32 v3, $0x1  }
0xdf: {  	v3 =	vand.u32 $0x7, v3;
	v4 =	vand.u32 $0xFFFFFFF0, v50  }
0xe0: {  	v3 =	vor.u32 v3, v4  }
0xe1: {  	v4 =	vperm.xlane v3, v0;
	_ =	sdelay $0x1  }
0xe2: {  	v3 =	vperm.xlane v3, v2;
	v4 =	vadd.s32 v1, v4;
	_ =	sdelay $0x1  }
0xe3: {  	v3 =	vadd.s32 v1, v3;
	_ =	sdelay $0x2  }
0xe4: {  	[tilespmem:s18], [sflag:$0x1] =	stream.indirect_vreg.gather [hbm4b:s1+s3], $0x80, v4, vm0, $0xb8;
	[tilespmem:$0x10200] =	vst v63  }
0xe5: {  	_ = 	snop  }
0xe6: {  	[tilespmem:s19], [sflag:$0x1] =	stream.indirect_vreg.gather [hbm4b:s1+s3], $0x80, v3, vm0, $0xb8;
	[tilespmem:$0x10200] =	vst v63  }
0xe7: {  	v3 =	vld [tilespmem:$0x130];
	_ =	sdelay $0x4  }
0xe8: {  	v51 =	vshll.u32 v3, $0x1  }
0xe9: {  	v3 =	vand.u32 $0x7, v3;
	v4 =	vand.u32 $0xFFFFFFF0, v51  }
0xea: {  	v3 =	vor.u32 v3, v4  }
0xeb: {  	v4 =	vperm.xlane v3, v0;
	_ =	sdelay $0x1  }
0xec: {  	v3 =	vperm.xlane v3, v2;
	v4 =	vadd.s32 v1, v4;
	_ =	sdelay $0x1  }
0xed: {  	v3 =	vadd.s32 v1, v3;
	_ =	sdelay $0x2  }
0xee: {  	[tilespmem:s20], [sflag:$0x1] =	stream.indirect_vreg.gather [hbm4b:s1+s3], $0x80, v4, vm0, $0xb8;
	[tilespmem:$0x10200] =	vst v63  }
0xef: {  	_ = 	snop  }
0xf0: {  	[tilespmem:s21], [sflag:$0x1] =	stream.indirect_vreg.gather [hbm4b:s1+s3], $0x80, v3, vm0, $0xb8;
	[tilespmem:$0x10200] =	vst v63  }
0xf1: {  	v3 =	vld [tilespmem:$0x140];
	_ =	sdelay $0x4  }
0xf2: {  	v52 =	vshll.u32 v3, $0x1  }
0xf3: {  	v3 =	vand.u32 $0x7, v3;
	v4 =	vand.u32 $0xFFFFFFF0, v52  }
0xf4: {  	v3 =	vor.u32 v3, v4  }
0xf5: {  	v4 =	vperm.xlane v3, v0;
	_ =	sdelay $0x1  }
0xf6: {  	v3 =	vperm.xlane v3, v2;
	v4 =	vadd.s32 v1, v4;
	_ =	sdelay $0x1  }
0xf7: {  	v3 =	vadd.s32 v1, v3;
	_ =	sdelay $0x2  }
0xf8: {  	[tilespmem:s24], [sflag:$0x1] =	stream.indirect_vreg.gather [hbm4b:s1+s3], $0x80, v4, vm0, $0xb8;
	[tilespmem:$0x10200] =	vst v63  }
0xf9: {  	_ = 	snop  }
0xfa: {  	[tilespmem:s25], [sflag:$0x1] =	stream.indirect_vreg.gather [hbm4b:s1+s3], $0x80, v3, vm0, $0xb8;
	[tilespmem:$0x10200] =	vst v63  }
0xfb: {  	v3 =	vld [tilespmem:$0x150];
	_ =	sdelay $0x4  }
0xfc: {  	v53 =	vshll.u32 v3, $0x1  }
0xfd: {  	v3 =	vand.u32 $0x7, v3;
	v4 =	vand.u32 $0xFFFFFFF0, v53  }
0xfe: {  	v3 =	vor.u32 v3, v4  }
0xff: {  	v4 =	vperm.xlane v3, v0;
	_ =	sdelay $0x1  }
0x100: {  	v3 =	vperm.xlane v3, v2;
	v4 =	vadd.s32 v1, v4;
	_ =	sdelay $0x1  }
0x101: {  	v3 =	vadd.s32 v1, v3;
	_ =	sdelay $0x2  }
0x102: {  	[tilespmem:s26], [sflag:$0x1] =	stream.indirect_vreg.gather [hbm4b:s1+s3], $0x80, v4, vm0, $0xb8;
	[tilespmem:$0x10200] =	vst v63  }
0x103: {  	_ = 	snop  }
0x104: {  	[tilespmem:s28], [sflag:$0x1] =	stream.indirect_vreg.gather [hbm4b:s1+s3], $0x80, v3, vm0, $0xb8;
	[tilespmem:$0x10200] =	vst v63  }
0x105: {  	v3 =	vld [tilespmem:$0x160];
	_ =	sdelay $0x4  }
0x106: {  	v54 =	vshll.u32 v3, $0x1  }
0x107: {  	v3 =	vand.u32 $0x7, v3;
	v4 =	vand.u32 $0xFFFFFFF0, v54  }
0x108: {  	v3 =	vor.u32 v3, v4  }
0x109: {  	v4 =	vperm.xlane v3, v0;
	_ =	sdelay $0x1  }
0x10a: {  	v3 =	vperm.xlane v3, v2;
	v4 =	vadd.s32 v1, v4;
	_ =	sdelay $0x1  }
0x10b: {  	v3 =	vadd.s32 v1, v3;
	_ =	sdelay $0x2  }
0x10c: {  	[tilespmem:s29], [sflag:$0x1] =	stream.indirect_vreg.gather [hbm4b:s1+s3], $0x80, v4, vm0, $0xb8;
	[tilespmem:$0x10200] =	vst v63  }
0x10d: {  	_ = 	snop  }
0x10e: {  	[tilespmem:s30], [sflag:$0x1] =	stream.indirect_vreg.gather [hbm4b:s1+s3], $0x80, v3, vm0, $0xb8;
	[tilespmem:$0x10200] =	vst v63  }
0x10f: {  	v3 =	vld [tilespmem:$0x170];
	_ =	sdelay $0x4  }
0x110: {  	v55 =	vshll.u32 v3, $0x1  }
0x111: {  	v3 =	vand.u32 $0x7, v3;
	v4 =	vand.u32 $0xFFFFFFF0, v55  }
0x112: {  	v3 =	vor.u32 v3, v4  }
0x113: {  	v4 =	vperm.xlane v3, v0;
	_ =	sdelay $0x1  }
0x114: {  	v3 =	vperm.xlane v3, v2;
	v4 =	vadd.s32 v1, v4;
	_ =	sdelay $0x1  }
0x115: {  	v3 =	vadd.s32 v1, v3;
	_ =	sdelay $0x2  }
0x116: {  	[tilespmem:s31], [sflag:$0x1] =	stream.indirect_vreg.gather [hbm4b:s1+s3], $0x80, v4, vm0, $0xb8;
	[tilespmem:$0x10200] =	vst v63  }
0x117: {  	_ = 	snop  }
0x118: {  	[tilespmem:s2], [sflag:$0x1] =	stream.indirect_vreg.gather [hbm4b:s1+s3], $0x80, v3, vm0, $0xb8;
	[tilespmem:$0x10200] =	vst v63  }
0x119: {  	_ =	swait.ge [sflag:s22], $0x8000  }
0x11a: {  	[sflag:s22] =	ssyncset.done $0x0  }
0x11b: {  	s2 =	rddreg [dreg:$0x6];
	[sflag:s22] =	ssyncadd.s32 $0xFFFF8000  }
0x11c: {  	[hbm4b:s2+s3] =	stream.linear.scatter [tilespmem:s23], [sflag:$0x2], $0x8000, $0x38;
	[tilespmem:$0x10200] =	vst v63  }
0x11d: {  	_ =	swait.ge [sflag:s13], $0x8000  }
0x11e: {  	[sflag:s13] =	ssyncset.done $0x0  }
0x11f: {  	[sflag:s13] =	ssyncadd.s32 $0xFFFF8000  }
0x120: {  	v3 =	vld [tilespmem:$0x180];
	_ =	sdelay $0x4  }
0x121: {  	v56 =	vshll.u32 v3, $0x1  }
0x122: {  	v3 =	vand.u32 $0x7, v3;
	v4 =	vand.u32 $0xFFFFFFF0, v56  }
0x123: {  	v3 =	vor.u32 v3, v4  }
0x124: {  	v4 =	vperm.xlane v3, v0;
	_ =	sdelay $0x1  }
0x125: {  	v3 =	vperm.xlane v3, v2;
	v4 =	vadd.s32 v1, v4;
	_ =	sdelay $0x1  }
0x126: {  	v3 =	vadd.s32 v1, v3;
	_ =	sdelay $0x2  }
0x127: {  	[tilespmem:s0], [sflag:$0x1] =	stream.indirect_vreg.gather [hbm4b:s1+s3], $0x80, v4, vm0, $0xb8;
	[tilespmem:$0x10200] =	vst v63  }
0x128: {  	s14 =	simm.s32 $0x8A00  }
0x129: {  	[tilespmem:s14], [sflag:$0x1] =	stream.indirect_vreg.gather [hbm4b:s1+s3], $0x80, v3, vm0, $0xb8;
	[tilespmem:$0x10200] =	vst v63  }
0x12a: {  	v3 =	vld [tilespmem:$0x190];
	_ =	sdelay $0x4  }
0x12b: {  	v57 =	vshll.u32 v3, $0x1  }
0x12c: {  	v3 =	vand.u32 $0x7, v3;
	v4 =	vand.u32 $0xFFFFFFF0, v57  }
0x12d: {  	v3 =	vor.u32 v3, v4  }
0x12e: {  	v4 =	vperm.xlane v3, v0;
	_ =	sdelay $0x1  }
0x12f: {  	v3 =	vperm.xlane v3, v2;
	v4 =	vadd.s32 v1, v4;
	_ =	sdelay $0x1  }
0x130: {  	v3 =	vadd.s32 v1, v3;
	_ =	sdelay $0x2  }
0x131: {  	[tilespmem:s7], [sflag:$0x1] =	stream.indirect_vreg.gather [hbm4b:s1+s3], $0x80, v4, vm0, $0xb8;
	[tilespmem:$0x10200] =	vst v63  }
0x132: {  	_ = 	snop  }
0x133: {  	[tilespmem:s8], [sflag:$0x1] =	stream.indirect_vreg.gather [hbm4b:s1+s3], $0x80, v3, vm0, $0xb8;
	[tilespmem:$0x10200] =	vst v63  }
0x134: {  	v3 =	vld [tilespmem:$0x1A0];
	_ =	sdelay $0x4  }
0x135: {  	v58 =	vshll.u32 v3, $0x1  }
0x136: {  	v3 =	vand.u32 $0x7, v3;
	v4 =	vand.u32 $0xFFFFFFF0, v58  }
0x137: {  	v3 =	vor.u32 v3, v4  }
0x138: {  	v4 =	vperm.xlane v3, v0;
	_ =	sdelay $0x1  }
0x139: {  	v3 =	vperm.xlane v3, v2;
	v4 =	vadd.s32 v1, v4;
	_ =	sdelay $0x1  }
0x13a: {  	v3 =	vadd.s32 v1, v3;
	_ =	sdelay $0x2  }
0x13b: {  	[tilespmem:s9], [sflag:$0x1] =	stream.indirect_vreg.gather [hbm4b:s1+s3], $0x80, v4, vm0, $0xb8;
	[tilespmem:$0x10200] =	vst v63  }
0x13c: {  	_ = 	snop  }
0x13d: {  	[tilespmem:s10], [sflag:$0x1] =	stream.indirect_vreg.gather [hbm4b:s1+s3], $0x80, v3, vm0, $0xb8;
	[tilespmem:$0x10200] =	vst v63  }
0x13e: {  	v3 =	vld [tilespmem:$0x1B0];
	_ =	sdelay $0x4  }
0x13f: {  	v59 =	vshll.u32 v3, $0x1  }
0x140: {  	v3 =	vand.u32 $0x7, v3;
	v4 =	vand.u32 $0xFFFFFFF0, v59  }
0x141: {  	v3 =	vor.u32 v3, v4  }
0x142: {  	v4 =	vperm.xlane v3, v0;
	_ =	sdelay $0x1  }
0x143: {  	v3 =	vperm.xlane v3, v2;
	v4 =	vadd.s32 v1, v4;
	_ =	sdelay $0x1  }
0x144: {  	v3 =	vadd.s32 v1, v3;
	_ =	sdelay $0x2  }
0x145: {  	[tilespmem:s11], [sflag:$0x1] =	stream.indirect_vreg.gather [hbm4b:s1+s3], $0x80, v4, vm0, $0xb8;
	[tilespmem:$0x10200] =	vst v63  }
0x146: {  	_ = 	snop  }
0x147: {  	[tilespmem:s12], [sflag:$0x1] =	stream.indirect_vreg.gather [hbm4b:s1+s3], $0x80, v3, vm0, $0xb8;
	[tilespmem:$0x10200] =	vst v63  }
0x148: {  	v3 =	vld [tilespmem:$0x1C0];
	_ =	sdelay $0x4  }
0x149: {  	v60 =	vshll.u32 v3, $0x1  }
0x14a: {  	v3 =	vand.u32 $0x7, v3;
	v4 =	vand.u32 $0xFFFFFFF0, v60  }
0x14b: {  	v3 =	vor.u32 v3, v4  }
0x14c: {  	v4 =	vperm.xlane v3, v0;
	_ =	sdelay $0x1  }
0x14d: {  	v3 =	vperm.xlane v3, v2;
	v4 =	vadd.s32 v1, v4;
	_ =	sdelay $0x1  }
0x14e: {  	v3 =	vadd.s32 v1, v3;
	_ =	sdelay $0x2  }
0x14f: {  	[tilespmem:s5], [sflag:$0x1] =	stream.indirect_vreg.gather [hbm4b:s1+s3], $0x80, v4, vm0, $0xb8;
	[tilespmem:$0x10200] =	vst v63  }
0x150: {  	_ = 	snop  }
0x151: {  	[tilespmem:s6], [sflag:$0x1] =	stream.indirect_vreg.gather [hbm4b:s1+s3], $0x80, v3, vm0, $0xb8;
	[tilespmem:$0x10200] =	vst v63  }
0x152: {  	v3 =	vld [tilespmem:$0x1D0];
	_ =	sdelay $0x4  }
0x153: {  	v61 =	vshll.u32 v3, $0x1  }
0x154: {  	v3 =	vand.u32 $0x7, v3;
	v4 =	vand.u32 $0xFFFFFFF0, v61  }
0x155: {  	v3 =	vor.u32 v3, v4  }
0x156: {  	v4 =	vperm.xlane v3, v0;
	_ =	sdelay $0x1  }
0x157: {  	v3 =	vperm.xlane v3, v2;
	v4 =	vadd.s32 v1, v4;
	_ =	sdelay $0x1  }
0x158: {  	v3 =	vadd.s32 v1, v3;
	_ =	sdelay $0x1  }
0x159: {  	s5 =	simm.s32 $0xD200  }
0x15a: {  	[tilespmem:s5], [sflag:$0x1] =	stream.indirect_vreg.gather [hbm4b:s1+s3], $0x80, v4, vm0, $0xb8;
	[tilespmem:$0x10200] =	vst v63  }
0x15b: {  	s14 =	simm.s32 $0xDA00  }
0x15c: {  	[tilespmem:s14], [sflag:$0x1] =	stream.indirect_vreg.gather [hbm4b:s1+s3], $0x80, v3, vm0, $0xb8;
	[tilespmem:$0x10200] =	vst v63  }
0x15d: {  	v3 =	vld [tilespmem:$0x1E0];
	_ =	sdelay $0x4  }
0x15e: {  	v62 =	vshll.u32 v3, $0x1  }
0x15f: {  	v3 =	vand.u32 $0x7, v3;
	v4 =	vand.u32 $0xFFFFFFF0, v62  }
0x160: {  	v3 =	vor.u32 v3, v4  }
0x161: {  	v4 =	vperm.xlane v3, v0;
	_ =	sdelay $0x1  }
0x162: {  	v3 =	vperm.xlane v3, v2;
	v4 =	vadd.s32 v1, v4;
	_ =	sdelay $0x1  }
0x163: {  	v3 =	vadd.s32 v1, v3;
	_ =	sdelay $0x1  }
0x164: {  	s5 =	simm.s32 $0xE200  }
0x165: {  	[tilespmem:s5], [sflag:$0x1] =	stream.indirect_vreg.gather [hbm4b:s1+s3], $0x80, v4, vm0, $0xb8;
	[tilespmem:$0x10200] =	vst v63  }
0x166: {  	s14 =	simm.s32 $0xEA00  }
0x167: {  	[tilespmem:s14], [sflag:$0x1] =	stream.indirect_vreg.gather [hbm4b:s1+s3], $0x80, v3, vm0, $0xb8;
	[tilespmem:$0x10200] =	vst v63  }
0x168: {  	v3 =	vld [tilespmem:$0x1F0];
	_ =	sdelay $0x4  }
0x169: {  	v63 =	vshll.u32 v3, $0x1  }
0x16a: {  	v3 =	vand.u32 $0x7, v3;
	v4 =	vand.u32 $0xFFFFFFF0, v63  }
0x16b: {  	v3 =	vor.u32 v3, v4  }
0x16c: {  	v4 =	vperm.xlane v3, v0;
	_ =	sdelay $0x1  }
0x16d: {  	v3 =	vperm.xlane v3, v2;
	v4 =	vadd.s32 v1, v4;
	_ =	sdelay $0x1  }
0x16e: {  	v3 =	vadd.s32 v1, v3;
	_ =	sdelay $0x1  }
0x16f: {  	s5 =	simm.s32 $0xF200  }
0x170: {  	[tilespmem:s5], [sflag:$0x1] =	stream.indirect_vreg.gather [hbm4b:s1+s3], $0x80, v4, vm0, $0xb8;
	[tilespmem:$0x10200] =	vst v63  }
0x171: {  	s14 =	simm.s32 $0xFA00  }
0x172: {  	[tilespmem:s14], [sflag:$0x1] =	stream.indirect_vreg.gather [hbm4b:s1+s3], $0x80, v3, vm0, $0xb8;
	[tilespmem:$0x10200] =	vst v63  }
0x173: {  	_ =	swait.ge [sflag:s22], $0x8000  }
0x174: {  	[sflag:s22] =	ssyncset.done $0x0  }
0x175: {  	s5 =	rddreg [dreg:$0x7];
	[sflag:s22] =	ssyncadd.s32 $0xFFFF8000  }
0x176: {  	[hbm4b:s5+s3] =	stream.linear.scatter [tilespmem:s0], [sflag:$0x2], $0x8000, $0x38;
	[tilespmem:$0x10200] =	vst v63  }
0x177: {  	p0 =	sne.s32 s4, $0x1;
	_ =	swait.ge [sflag:s13], $0x8000  }
.Ltmp0:
0x178: {  	[sflag:s13] =	ssyncset.done $0x0;
	(pc) =	sbr.rel @p0 .LBB2_1-.Ltmp0, $4  }
0x179: {  	[sflag:s13] =	ssyncadd.s32 $0xFFFF8000  }
0x17a: {  	_ =	swait.ge [sflag:s13], $0x8000  }
0x17b: {  	[sflag:s13] =	ssyncset.done $0x0  }
0x17c: {  	s4 =	sadd.s32 $0xFFFFFFFF, s4;
	[sflag:s13] =	ssyncadd.s32 $0xFFFF8000  }
0x17d: {  	_ =	sfence.sel $0x180000  }
0x17e: {  	[bflag:$0x0] =	sbarrier.arrive $0xFFFF  }
0x17f: {  	_ =	strace $0x9000004A  }
0x180: {  	s0 =	stileid.u32;
	[bflag:$0x2] =	sbarrier.arrive $0xFFFF  }
0x181: {  	p0 =	sne.s32 s0, $0x0;
	s0 =	rddreg [dreg:$0x2]  }
0x182: {  	s0 =	sadd.s32 @!p0 $0x100000, s0  }
0x183: {  	[sflag:s0] =	ssyncadd.tile.s32 @!p0 $0x1;
	_ =	shalt  }
.Lfunc_end2:
_tile_overlayer_lowered:
.L_overlay_start_2:
0x184: {  	(tag) =	ssettag $0x2  }
0x185: {  	s0 =	rddreg [dreg:$0x0];
	s2 =	stileid.u32  }
0x186: {  	s1 =	rddreg [dreg:$0x1];
	p0 =	sne.s32 s2, $0x0  }
0x187: {  	s3 =	rddreg [dreg:$0x2];
	[bflag:$0x3] =	sbarrier.arrive $0xFFFF;
	s2 =	simm.s32 @!p0 $0x1C03  }
0x188: {  	[timem:s3], [sflag:s2] =	dma.local @!p0 [hbm:s0], s1  }
0x189: {  	s0 =	simm.s32 @!p0 $0x3  }
0x18a: {  	_ =	swait.ge @!p0 [sflag:s0], s1  }
0x18b: {  	s1 =	ssub.s32 @!p0 $0x0, s1;
	[sflag:s0] =	ssyncset.done @!p0 $0x0  }
0x18c: {  	[sflag:s0] =	ssyncadd.s32 @!p0 s1  }
0x18d: {  	[bflag:$0x3] =	sbarrier.arrive $0xFFFF  }
0x18e: {  	_ =	shalt  }

// kernel: kernel.9.cloned.1.call-start
scs
__scs_entry_jumppad:
0x0: {  	(pc) =	sbr.rel $0x88, $3  }
0x1: {  	(tag) =	ssettag $0x0;
	lr =	simm.s32 $0x1  }
0x2: {  	[smem:$0x3F99] =	sst lr;
	_ =	strace $0xD0000000  }
0x3: {  	_ = 	snop  }
0x4: {  	_ = 	snop  }
0x5: {  	_ = 	snop  }
0x6: {  	_ = 	snop  }
0x7: {  	_ = 	snop  }
__scs_overlays_trampoline_lowered:
0x8: {  	[smem:$0x3FA8] =	sst s0  }
0x9: {  	[smem:$0x3FA9] =	sst s1  }
0xa: {  	[smem:$0x3FAA] =	sst s2  }
0xb: {  	[smem:$0x3FAB] =	sst s3  }
0xc: {  	[smem:$0x3FAC] =	sst s4  }
0xd: {  	[smem:$0x3FAD] =	sst s5  }
0xe: {  	[smem:$0x3FAE] =	sst s6  }
0xf: {  	[smem:$0x3FAF] =	sst s7  }
0x10: {  	[smem:$0x3FB0] =	sst s8  }
0x11: {  	[smem:$0x3FB1] =	sst s9;
	s0 =	simm.s32 @!p0 $0x0  }
0x12: {  	s1 =	sld [smem:$0x3F97];
	s0 =	simm.s32 @p0 $0x1  }
0x13: {  	[smem:$0x3FB2] =	sst s0;
	s0 =	simm.s32 @!p1 $0x0  }
0x14: {  	s2 =	sld [smem:$0x3F96];
	s0 =	simm.s32 @p1 $0x1  }
0x15: {  	[smem:$0x3FB3] =	sst s0;
	s0 =	simm.s32 @!p2 $0x0  }
0x16: {  	s3 =	sld [smem:$0x3FDB];
	s0 =	simm.s32 @p2 $0x1  }
0x17: {  	s4 =	simm.s32 $0x1BF5;
	[smem:$0x3FB5] =	sst s0  }
0x18: {  	s0 =	sld [smem:$0x3F98];
	_ =	swait.ge [sflag:s4], $0x0  }
0x19: {  	s7 =	sld [smem:$0x3F99]  }
0x1a: {  	s8 =	sadd.s32 $0xFFFFE003, lr  }
0x1b: {  	s9 =	sadd.s32 $0xFFFFFEF7, lr;
	s5 =	simm.s32 $0xFFFFFFFF;
	p2 =	slt.u32 s8, $0xFFFFF086  }
0x1c: {  	p1 =	slt.u32 s9, $0xF7A;
	s5 =	simm.s32 @!p2 $0x0  }
0x1d: {  	s5 =	simm.s32 @p1 $0x1;
	p0 =	seq.s32 s7, s2  }
0x1e: {  	s7 =	smul.u32 @!p0 $0xF7A, s2;
	p2 =	seq.s32 @!p0 s5, $0x0  }
0x1f: {  	s9 =	smul.u32 $0xF7A, s1;
	s8 =	simm.s32 @!p0 $0x1BF5;
	p2 =	por !p2, p0  }
0x20: {  	[sflag:s8] =	ssyncset.s32 @!p0 $0xFFFFF086;
	s6 =	sadd.s32 @!p0 s3, s7;
	s7 =	simm.s32 @!p0 $0x108  }
0x21: {  	s3 =	sadd.s32 s3, s9;
	s6 =	sadd.s32 @!p0 $0x88, s6;
	s7 =	simm.s32 @p2 $0x1082  }
0x22: {  	[simem:s7], [sflag:s8] =	dma.local @!p0 [hbm:s6], $0xF7A  }
0x23: {  	s9 =	sor.u32 $0xD0000000, s2;
	s6 =	simm.s32 $0x108;
	_ =	swait.ge @!p0 [sflag:s8], $0x0  }
0x24: {  	s3 =	sadd.s32 $0x88, s3;
	s6 =	simm.s32 @!p1 $0x1082;
	[sflag:s4] =	ssyncset.s32 $0xFFFFF086  }
0x25: {  	[simem:s6], [sflag:s4] =	dma.local [hbm:s3], $0xF7A  }
0x26: {  	[smem:$0x3F99] =	sst s1;
	(tag) =	ssettag s2;
	_ =	strace s9  }
0x27: {  	s1 =	sld [smem:$0x3FA9]  }
0x28: {  	s2 =	sld [smem:$0x3FAA]  }
0x29: {  	s4 =	sld [smem:$0x3FAC]  }
0x2a: {  	p0 =	seq.s32 s5, $0x0;
	s5 =	sld [smem:$0x3FAD]  }
0x2b: {  	s6 =	sld [smem:$0x3FAE]  }
0x2c: {  	s7 =	sld [smem:$0x3FAF]  }
0x2d: {  	s3 =	simm.s32 $0x108;
	s8 =	sld [smem:$0x3FB0]  }
0x2e: {  	s3 =	simm.s32 @!p0 $0x1082;
	s9 =	sld [smem:$0x3FB1]  }
0x2f: {  	lr =	sadd.s32 s0, s3;
	s0 =	sld [smem:$0x3FA8]  }
0x30: {  	s3 =	sld [smem:$0x3FAB]  }
0x31: {  	[smem:$0x3FB4] =	sst s10  }
0x32: {  	s10 =	sld [smem:$0x3FB2];
	_ =	sdelay $0x3  }
0x33: {  	p0 =	seq.s32 s10, $0x1;
	s10 =	sld [smem:$0x3FB4];
	_ =	sdelay $0x3  }
0x34: {  	[smem:$0x3FB4] =	sst s10  }
0x35: {  	s10 =	sld [smem:$0x3FB3];
	_ =	sdelay $0x3  }
0x36: {  	p1 =	seq.s32 s10, $0x1;
	s10 =	sld [smem:$0x3FB4];
	_ =	sdelay $0x3  }
0x37: {  	[smem:$0x3FB4] =	sst s10  }
0x38: {  	s10 =	sld [smem:$0x3FB5]  }
0x39: {  	_ = 	snop;
	(pc) =	sbr.ind lr, $3  }
0x3a: {  	_ = 	snop  }
0x3b: {  	_ = 	snop  }
0x3c: {  	p2 =	seq.s32 s10, $0x1;
	s10 =	sld [smem:$0x3FB4]  }
0x3d: {  	_ =	shalt  }
0x3e: {  	_ =	shalt  }
0x3f: {  	_ =	shalt  }
0x40: {  	_ =	shalt  }
0x41: {  	_ =	shalt  }
0x42: {  	_ =	shalt  }
0x43: {  	_ =	shalt  }
0x44: {  	_ =	shalt  }
0x45: {  	_ =	shalt  }
0x46: {  	_ =	shalt  }
0x47: {  	_ =	shalt  }
0x48: {  	_ =	shalt  }
0x49: {  	_ =	shalt  }
0x4a: {  	_ =	shalt  }
0x4b: {  	_ =	shalt  }
0x4c: {  	_ =	shalt  }
0x4d: {  	_ =	shalt  }
0x4e: {  	_ =	shalt  }
0x4f: {  	_ =	shalt  }
0x50: {  	_ =	shalt  }
0x51: {  	_ =	shalt  }
0x52: {  	_ =	shalt  }
0x53: {  	_ =	shalt  }
0x54: {  	_ =	shalt  }
0x55: {  	_ =	shalt  }
0x56: {  	_ =	shalt  }
0x57: {  	_ =	shalt  }
0x58: {  	_ =	shalt  }
0x59: {  	_ =	shalt  }
0x5a: {  	_ =	shalt  }
0x5b: {  	_ =	shalt  }
0x5c: {  	_ =	shalt  }
0x5d: {  	_ =	shalt  }
0x5e: {  	_ =	shalt  }
0x5f: {  	_ =	shalt  }
0x60: {  	_ =	shalt  }
0x61: {  	_ =	shalt  }
0x62: {  	_ =	shalt  }
0x63: {  	_ =	shalt  }
0x64: {  	_ =	shalt  }
0x65: {  	_ =	shalt  }
0x66: {  	_ =	shalt  }
0x67: {  	_ =	shalt  }
0x68: {  	_ =	shalt  }
0x69: {  	_ =	shalt  }
0x6a: {  	_ =	shalt  }
0x6b: {  	_ =	shalt  }
0x6c: {  	_ =	shalt  }
0x6d: {  	_ =	shalt  }
0x6e: {  	_ =	shalt  }
0x6f: {  	_ =	shalt  }
0x70: {  	_ =	shalt  }
0x71: {  	_ =	shalt  }
0x72: {  	_ =	shalt  }
0x73: {  	_ =	shalt  }
0x74: {  	_ =	shalt  }
0x75: {  	_ =	shalt  }
0x76: {  	_ =	shalt  }
0x77: {  	_ =	shalt  }
0x78: {  	_ =	shalt  }
0x79: {  	_ =	shalt  }
0x7a: {  	_ =	shalt  }
0x7b: {  	_ =	shalt  }
0x7c: {  	_ =	shalt  }
0x7d: {  	_ =	shalt  }
0x7e: {  	_ =	shalt  }
0x7f: {  	_ =	shalt  }
0x80: {  	_ =	shalt  }
0x81: {  	_ =	shalt  }
0x82: {  	_ =	shalt  }
0x83: {  	_ =	shalt  }
0x84: {  	_ =	shalt  }
0x85: {  	_ =	shalt  }
0x86: {  	_ =	shalt  }
0x87: {  	_ =	shalt  }
.Lfunc_end0:
.L_simem_size_0:
called_computation.1_lowered:
.L_overlay_start_0:
0x88: {  	s2 =	sld [smem:$0x3FD9]  }
0x89: {  	s3 =	sld [smem:$0x3FFE];
	_ =	sdelay $0x1  }
0x8a: {  	s1 =	srdreg.scid  }
0x8b: {  	s0 =	sand.u32 $0x1, s1  }
0x8c: {  	s17 =	sshll.u32 s0, $0xA;
	s2 =	sadd.s32 s3, s2  }
0x8d: {  	s2 =	sadd.s32 s2, s17  }
0x8e: {  	[smem:$0x3FC0] =	sst s2  }
0x8f: {  	_ = 	snop  }
0x90: {  	s2 =	sld [smem:$0x3FC8]  }
0x91: {  	s18 =	sld [smem:$0x3FD0];
	(tm) =	ssettm $0x1  }
0x92: {  	s4 =	sld [smem:$0x3FFB];
	_ =	sdelay $0x3  }
0x93: {  	_ =	strace s4  }
0x94: {  	s4 =	sld [smem:$0x3FFC];
	_ =	sdelay $0x3  }
0x95: {  	_ =	strace s4  }
0x96: {  	s4 =	sld [smem:$0x3FFD];
	_ =	sdelay $0x3  }
0x97: {  	_ =	strace s4  }
0x98: {  	_ =	strace $0x8FFFFFFF  }
0x99: {  	s19 =	sld [smem:$0x3FDB];
	_ =	sdelay $0x1  }
0x9a: {  	s5 =	simm.s32 $_scs_section_size  }
0x9b: {  	s6 =	simm.s32 $_size__tile_overlayer_lowered;
	s7 =	simm.s32 $_tile_overlayer_lowered  }
0x9c: {  	s22 =	simm.s32 $0x1BFF;
	s21 =	sshll.u32 s7, $0x1;
	s4 =	sadd.s32 s5, s19  }
0x9d: {  	s8 =	simm.s32 $0x0;
	s20 =	sshll.u32 s6, $0x1;
	s6 =	sadd.s32 s21, s4  }
0x9e: {  	[timem:s8], [sflag:s22] =	dma.local [hbm:s6], s20  }
0x9f: {  	_ =	swait.ge [sflag:s22], s20  }
0xa0: {  	s5 =	ssub.s32 $0x0, s20;
	[sflag:s22] =	ssyncset.done $0x0  }
0xa1: {  	[sflag:s22] =	ssyncadd.s32 s5;
	_ =	sdelay $0x1  }
0xa2: {  	s23 =	simm.s32 $0x1B8B  }
0xa3: {  	_ =	swait.ge [sflag:s23], $0x1  }
0xa4: {  	[sflag:s23] =	ssyncset.done $0x0  }
0xa5: {  	s25 =	simm.s32 $0x1B8E;
	s24 =	sld [smem:$0x3FFE];
	[sflag:s23] =	ssyncadd.s32 $0xFFFFFFFF  }
0xa6: {  	s26 =	simm.s32 $execute0_lowered;
	[smem:$0x3FD2] =	sst s25  }
0xa7: {  	s6 =	sshll.u32 s26, $0x1;
	_ =	strace $0x80000046;
	[dreg:$0x1] =	wrdreg $0xFFFFFFFF  }
0xa8: {  	s28 =	simm.s32 $_size_execute0_lowered;
	s4 =	sadd.s32 s4, s6;
	[dreg:$0x0] =	wrdreg $0x0  }
0xa9: {  	s6 =	sshll.u32 s28, $0x1;
	[dreg:$0x2] =	wrdreg s4  }
0xaa: {  	[dreg:$0x3] =	wrdreg s6  }
0xab: {  	[dreg:$0x4] =	wrdreg $0xC0  }
0xac: {  	_ =	task [dreg:s8], $0x5FFFF  }
0xad: {  	[dreg:$0x1] =	wrdreg $0xFFFFFFFF  }
0xae: {  	[dreg:$0x0] =	wrdreg $0x60  }
0xaf: {  	[dreg:$0x2] =	wrdreg s18  }
0xb0: {  	[dreg:$0x3] =	wrdreg s2  }
0xb1: {  	[dreg:$0x4] =	wrdreg s24  }
0xb2: {  	[dreg:$0x5] =	wrdreg $0xA  }
0xb3: {  	_ =	task.clear_ibuf [dreg:s8], $0x6FFFF;
	_ =	strace $0x90000046  }
0xb4: {  	s29 =	simm.s32 $0xA;
	_ =	strace $0x80000048  }
0xb5: {  	_ =	swait.ge [sflag:s29], $0x1  }
0xb6: {  	[sflag:s29] =	ssyncadd.s32 $0xFFFFFFFF  }
0xb7: {  	_ =	strace $0x90000048  }
0xb8: {  	_ =	sfence  }
0xb9: {  	s30 =	sld [smem:$0x0];
	_ =	sdelay $0x2  }
0xba: {  	s31 =	sshll.u32 s1, $0xD;
	s1 =	sshrl.u32 s1, $0x2  }
0xbb: {  	s3 =	sand.u32 $0x4000, s31;
	s1 =	sadd.s32 s1, s30  }
0xbc: {  	s0 =	sor.u32 s3, s0;
	s1 =	sshll.u32 s1, $0x11  }
0xbd: {  	s0 =	sor.u32 s1, s0  }
0xbe: {  	s0 =	sadd.s32 $0x8F2B, s0  }
0xbf: {  	[sflag:s0] =	ssyncadd.remote.s32 $0x1  }
0xc0: {  	_ =	sfence.sel $0xFFFF  }
0xc1: {  	[dreg:$0x0] =	wrdreg $0xFFFFFFFF;
	(pc) =	sbr.abs _section_cstart, $3  }
0xc2: {  	[dreg:$0x1] =	wrdreg $0xFFFFFFFF  }
0xc3: {  	_ =	task.clear_ibuf [dreg:s8], $0x2FFFF;
	_ =	strace $0x9FFFFFFF  }
0xc4: {  	(tm) =	ssettm $0x7FFFFFFF  }
0xc5: {  	_ =	shalt  }
tec
execute0_lowered:
.L_overlay_start_1:
0x0: {  	(tag) =	ssettag $0x1  }
0x1: {  	s0 =	rddreg [dreg:$0x0]  }
0x2: {  	s1 =	rddreg [dreg:$0x1]  }
0x3: {  	s2 =	rddreg [dreg:$0x2]  }
0x4: {  	s3 =	simm.s32 $0x0;
	s4 =	srdreg.scid;
	s8 =	stileid.u32  }
0x5: {  	s13 =	simm.s32 $0x2;
	s15 =	simm.s32 $0xA00;
	s16 =	simm.s32 $0x1200  }
0x6: {  	s17 =	simm.s32 $0x1A00;
	s18 =	simm.s32 $0x2200;
	s19 =	simm.s32 $0x2A00  }
0x7: {  	s28 =	simm.s32 $0x5A00;
	s29 =	simm.s32 $0x6200;
	s30 =	simm.s32 $0x6A00  }
0x8: {  	s31 =	simm.s32 $0x7200;
	s9 =	simm.s32 $0xA200;
	s10 =	simm.s32 $0xAA00  }
0x9: {  	s11 =	simm.s32 $0xB200;
	s12 =	simm.s32 $0xBA00;
	[smem:$0x7FF] =	sst s3  }
0xa: {  	s4 =	sand.u32 $0x1, s4;
	s5 =	sshll.u32 s8, $0xF;
	s20 =	sshll.u32 s8, $0x7  }
0xb: {  	s8 =	simm.s32 $0x9A00;
	s6 =	sshll.u32 s4, $0xE;
	s7 =	sshll.u32 s4, $0x6  }
0xc: {  	_ =	strace $0x80000047;
	s4 =	ssub.s32 $0x2, s4;
	s5 =	sor.u32 s6, s5  }
0xd: {  	s0 =	sadd.s32 s0, s7;
	s24 =	sshrl.u32 s4, $0x1;
	s7 =	simm.s32 $0x9200  }
0xe: {  	s6 =	simm.s32 $0xCA00;
	s2 =	sadd.s32 s5, s2;
	s0 =	sadd.s32 s20, s0  }
0xf: {  	s26 =	ssub.s32 s4, s24;
	[dreg:$0x4] =	wrdreg s0;
	s21 =	sadd.s32 $0x1600, s2  }
0x10: {  	s20 =	simm.s32 $0x3200;
	s22 =	sadd.s32 $0x2600, s2;
	[dreg:$0x5] =	wrdreg s21  }
0x11: {  	s24 =	simm.s32 $0x4200;
	s23 =	sadd.s32 $0x3600, s2;
	[dreg:$0x6] =	wrdreg s22  }
0x12: {  	v2 =	vlaneseq.u32;
	s25 =	sadd.s32 $0x4600, s2;
	s4 =	smax.u32 s26, $0x1;
	[dreg:$0x7] =	wrdreg s23  }
0x13: {  	vm0 =	vmmov $0xffff;
	v1 =	vshrl.u32 v2, $0x3;
	s26 =	simm.s32 $0x5200;
	[dreg:$0x8] =	wrdreg s25;
	s22 =	simm.s32 $0x1  }
0x14: {  	v0 =	vand.u32 $0x7, v2;
	v2 =	vor.u32 $0x8, v2;
	v1 =	vmul.u32 $0x8, v1;
	s23 =	simm.s32 $0x200;
	s21 =	simm.s32 $0x3A00;
	s25 =	simm.s32 $0x4A00  }
.LBB2_1:
0x15: {  	s14 =	rddreg [dreg:$0x4];
	s0 =	simm.s32 $0x3  }
0x16: {  	[tilespmem:s3], [sflag:$0x3] =	stream.linear.gather [hbm4b:s14+s3], $0x200, $0x38;
	[tilespmem:$0x10200] =	vst v63  }
0x17: {  	_ =	swait.ge [sflag:s0], $0x200  }
0x18: {  	[sflag:s0] =	ssyncset.done $0x0  }
0x19: {  	[sflag:s0] =	ssyncadd.s32 $0xFFFFFE00  }
0x1a: {  	v3 =	vld [tilespmem:$0x0];
	_ =	sdelay $0x4  }
0x1b: {  	v4 =	vshll.u32 v3, $0x1  }
0x1c: {  	v3 =	vand.u32 $0x7, v3;
	v4 =	vand.u32 $0xFFFFFFF0, v4  }
0x1d: {  	v3 =	vor.u32 v3, v4  }
0x1e: {  	v4 =	vperm.xlane v3, v0;
	_ =	sdelay $0x1  }
0x1f: {  	v3 =	vperm.xlane v3, v2;
	v4 =	vadd.s32 v1, v4;
	_ =	sdelay $0x1  }
0x20: {  	v3 =	vadd.s32 v1, v3;
	_ =	sdelay $0x2  }
0x21: {  	[tilespmem:s23], [sflag:$0x1] =	stream.indirect_vreg.gather [hbm4b:s1+s3], $0x80, v4, vm0, $0xb8;
	[tilespmem:$0x10200] =	vst v63  }
0x22: {  	_ = 	snop  }
0x23: {  	[tilespmem:s15], [sflag:$0x1] =	stream.indirect_vreg.gather [hbm4b:s1+s3], $0x80, v3, vm0, $0xb8;
	[tilespmem:$0x10200] =	vst v63  }
0x24: {  	v3 =	vld [tilespmem:$0x10];
	_ =	sdelay $0x4  }
0x25: {  	v33 =	vshll.u32 v3, $0x1  }
0x26: {  	v3 =	vand.u32 $0x7, v3;
	v4 =	vand.u32 $0xFFFFFFF0, v33  }
0x27: {  	v3 =	vor.u32 v3, v4  }
0x28: {  	v4 =	vperm.xlane v3, v0;
	_ =	sdelay $0x1  }
0x29: {  	v3 =	vperm.xlane v3, v2;
	v4 =	vadd.s32 v1, v4;
	_ =	sdelay $0x1  }
0x2a: {  	v3 =	vadd.s32 v1, v3;
	_ =	sdelay $0x2  }
0x2b: {  	[tilespmem:s16], [sflag:$0x1] =	stream.indirect_vreg.gather [hbm4b:s1+s3], $0x80, v4, vm0, $0xb8;
	[tilespmem:$0x10200] =	vst v63  }
0x2c: {  	_ = 	snop  }
0x2d: {  	[tilespmem:s17], [sflag:$0x1] =	stream.indirect_vreg.gather [hbm4b:s1+s3], $0x80, v3, vm0, $0xb8;
	[tilespmem:$0x10200] =	vst v63  }
0x2e: {  	v3 =	vld [tilespmem:$0x20];
	_ =	sdelay $0x4  }
0x2f: {  	v34 =	vshll.u32 v3, $0x1  }
0x30: {  	v3 =	vand.u32 $0x7, v3;
	v4 =	vand.u32 $0xFFFFFFF0, v34  }
0x31: {  	v3 =	vor.u32 v3, v4  }
0x32: {  	v4 =	vperm.xlane v3, v0;
	_ =	sdelay $0x1  }
0x33: {  	v3 =	vperm.xlane v3, v2;
	v4 =	vadd.s32 v1, v4;
	_ =	sdelay $0x1  }
0x34: {  	v3 =	vadd.s32 v1, v3;
	_ =	sdelay $0x2  }
0x35: {  	[tilespmem:s18], [sflag:$0x1] =	stream.indirect_vreg.gather [hbm4b:s1+s3], $0x80, v4, vm0, $0xb8;
	[tilespmem:$0x10200] =	vst v63  }
0x36: {  	_ = 	snop  }
0x37: {  	[tilespmem:s19], [sflag:$0x1] =	stream.indirect_vreg.gather [hbm4b:s1+s3], $0x80, v3, vm0, $0xb8;
	[tilespmem:$0x10200] =	vst v63  }
0x38: {  	v3 =	vld [tilespmem:$0x30];
	_ =	sdelay $0x4  }
0x39: {  	v35 =	vshll.u32 v3, $0x1  }
0x3a: {  	v3 =	vand.u32 $0x7, v3;
	v4 =	vand.u32 $0xFFFFFFF0, v35  }
0x3b: {  	v3 =	vor.u32 v3, v4  }
0x3c: {  	v4 =	vperm.xlane v3, v0;
	_ =	sdelay $0x1  }
0x3d: {  	v3 =	vperm.xlane v3, v2;
	v4 =	vadd.s32 v1, v4;
	_ =	sdelay $0x1  }
0x3e: {  	v3 =	vadd.s32 v1, v3;
	_ =	sdelay $0x2  }
0x3f: {  	[tilespmem:s20], [sflag:$0x1] =	stream.indirect_vreg.gather [hbm4b:s1+s3], $0x80, v4, vm0, $0xb8;
	[tilespmem:$0x10200] =	vst v63  }
0x40: {  	_ = 	snop  }
0x41: {  	[tilespmem:s21], [sflag:$0x1] =	stream.indirect_vreg.gather [hbm4b:s1+s3], $0x80, v3, vm0, $0xb8;
	[tilespmem:$0x10200] =	vst v63  }
0x42: {  	v3 =	vld [tilespmem:$0x40];
	_ =	sdelay $0x4  }
0x43: {  	v36 =	vshll.u32 v3, $0x1  }
0x44: {  	v3 =	vand.u32 $0x7, v3;
	v4 =	vand.u32 $0xFFFFFFF0, v36  }
0x45: {  	v3 =	vor.u32 v3, v4  }
0x46: {  	v4 =	vperm.xlane v3, v0;
	_ =	sdelay $0x1  }
0x47: {  	v3 =	vperm.xlane v3, v2;
	v4 =	vadd.s32 v1, v4;
	_ =	sdelay $0x1  }
0x48: {  	v3 =	vadd.s32 v1, v3;
	_ =	sdelay $0x2  }
0x49: {  	[tilespmem:s24], [sflag:$0x1] =	stream.indirect_vreg.gather [hbm4b:s1+s3], $0x80, v4, vm0, $0xb8;
	[tilespmem:$0x10200] =	vst v63  }
0x4a: {  	_ = 	snop  }
0x4b: {  	[tilespmem:s25], [sflag:$0x1] =	stream.indirect_vreg.gather [hbm4b:s1+s3], $0x80, v3, vm0, $0xb8;
	[tilespmem:$0x10200] =	vst v63  }
0x4c: {  	v3 =	vld [tilespmem:$0x50];
	_ =	sdelay $0x4  }
0x4d: {  	v37 =	vshll.u32 v3, $0x1  }
0x4e: {  	v3 =	vand.u32 $0x7, v3;
	v4 =	vand.u32 $0xFFFFFFF0, v37  }
0x4f: {  	v3 =	vor.u32 v3, v4  }
0x50: {  	v4 =	vperm.xlane v3, v0;
	_ =	sdelay $0x1  }
0x51: {  	v3 =	vperm.xlane v3, v2;
	v4 =	vadd.s32 v1, v4;
	_ =	sdelay $0x1  }
0x52: {  	v3 =	vadd.s32 v1, v3;
	_ =	sdelay $0x2  }
0x53: {  	[tilespmem:s26], [sflag:$0x1] =	stream.indirect_vreg.gather [hbm4b:s1+s3], $0x80, v4, vm0, $0xb8;
	[tilespmem:$0x10200] =	vst v63  }
0x54: {  	_ = 	snop  }
0x55: {  	[tilespmem:s28], [sflag:$0x1] =	stream.indirect_vreg.gather [hbm4b:s1+s3], $0x80, v3, vm0, $0xb8;
	[tilespmem:$0x10200] =	vst v63  }
0x56: {  	v3 =	vld [tilespmem:$0x60];
	_ =	sdelay $0x4  }
0x57: {  	v38 =	vshll.u32 v3, $0x1  }
0x58: {  	v3 =	vand.u32 $0x7, v3;
	v4 =	vand.u32 $0xFFFFFFF0, v38  }
0x59: {  	v3 =	vor.u32 v3, v4  }
0x5a: {  	v4 =	vperm.xlane v3, v0;
	_ =	sdelay $0x1  }
0x5b: {  	v3 =	vperm.xlane v3, v2;
	v4 =	vadd.s32 v1, v4;
	_ =	sdelay $0x1  }
0x5c: {  	v3 =	vadd.s32 v1, v3;
	_ =	sdelay $0x2  }
0x5d: {  	[tilespmem:s29], [sflag:$0x1] =	stream.indirect_vreg.gather [hbm4b:s1+s3], $0x80, v4, vm0, $0xb8;
	[tilespmem:$0x10200] =	vst v63  }
0x5e: {  	_ = 	snop  }
0x5f: {  	[tilespmem:s30], [sflag:$0x1] =	stream.indirect_vreg.gather [hbm4b:s1+s3], $0x80, v3, vm0, $0xb8;
	[tilespmem:$0x10200] =	vst v63  }
0x60: {  	v3 =	vld [tilespmem:$0x70];
	_ =	sdelay $0x4  }
0x61: {  	v39 =	vshll.u32 v3, $0x1  }
0x62: {  	v3 =	vand.u32 $0x7, v3;
	v4 =	vand.u32 $0xFFFFFFF0, v39  }
0x63: {  	v3 =	vor.u32 v3, v4  }
0x64: {  	v4 =	vperm.xlane v3, v0;
	_ =	sdelay $0x1  }
0x65: {  	v3 =	vperm.xlane v3, v2;
	v4 =	vadd.s32 v1, v4;
	_ =	sdelay $0x1  }
0x66: {  	v3 =	vadd.s32 v1, v3;
	_ =	sdelay $0x2  }
0x67: {  	[tilespmem:s31], [sflag:$0x1] =	stream.indirect_vreg.gather [hbm4b:s1+s3], $0x80, v4, vm0, $0xb8;
	[tilespmem:$0x10200] =	vst v63  }
0x68: {  	s2 =	simm.s32 $0x7A00  }
0x69: {  	[tilespmem:s2], [sflag:$0x1] =	stream.indirect_vreg.gather [hbm4b:s1+s3], $0x80, v3, vm0, $0xb8;
	[tilespmem:$0x10200] =	vst v63  }
0x6a: {  	_ =	swait.ge [sflag:s22], $0x8000  }
0x6b: {  	[sflag:s22] =	ssyncset.done $0x0  }
0x6c: {  	s0 =	rddreg [dreg:$0x5];
	[sflag:s22] =	ssyncadd.s32 $0xFFFF8000  }
0x6d: {  	[hbm4b:s0+s3] =	stream.linear.scatter [tilespmem:s23], [sflag:$0x2], $0x8000, $0x38;
	[tilespmem:$0x10200] =	vst v63  }
0x6e: {  	v3 =	vld [tilespmem:$0x80];
	_ =	sdelay $0x4  }
0x6f: {  	v40 =	vshll.u32 v3, $0x1  }
0x70: {  	v3 =	vand.u32 $0x7, v3;
	v4 =	vand.u32 $0xFFFFFFF0, v40  }
0x71: {  	v3 =	vor.u32 v3, v4  }
0x72: {  	v4 =	vperm.xlane v3, v0;
	_ =	sdelay $0x1  }
0x73: {  	v3 =	vperm.xlane v3, v2;
	v4 =	vadd.s32 v1, v4;
	_ =	sdelay $0x1  }
0x74: {  	v3 =	vadd.s32 v1, v3;
	_ =	sdelay $0x1  }
0x75: {  	s0 =	simm.s32 $0x8200  }
0x76: {  	[tilespmem:s0], [sflag:$0x1] =	stream.indirect_vreg.gather [hbm4b:s1+s3], $0x80, v4, vm0, $0xb8;
	[tilespmem:$0x10200] =	vst v63  }
0x77: {  	s5 =	simm.s32 $0x8A00  }
0x78: {  	[tilespmem:s5], [sflag:$0x1] =	stream.indirect_vreg.gather [hbm4b:s1+s3], $0x80, v3, vm0, $0xb8;
	[tilespmem:$0x10200] =	vst v63  }
0x79: {  	v3 =	vld [tilespmem:$0x90];
	_ =	sdelay $0x4  }
0x7a: {  	v41 =	vshll.u32 v3, $0x1  }
0x7b: {  	v3 =	vand.u32 $0x7, v3;
	v4 =	vand.u32 $0xFFFFFFF0, v41  }
0x7c: {  	v3 =	vor.u32 v3, v4  }
0x7d: {  	v4 =	vperm.xlane v3, v0;
	_ =	sdelay $0x1  }
0x7e: {  	v3 =	vperm.xlane v3, v2;
	v4 =	vadd.s32 v1, v4;
	_ =	sdelay $0x1  }
0x7f: {  	v3 =	vadd.s32 v1, v3;
	_ =	sdelay $0x2  }
0x80: {  	[tilespmem:s7], [sflag:$0x1] =	stream.indirect_vreg.gather [hbm4b:s1+s3], $0x80, v4, vm0, $0xb8;
	[tilespmem:$0x10200] =	vst v63  }
0x81: {  	_ = 	snop  }
0x82: {  	[tilespmem:s8], [sflag:$0x1] =	stream.indirect_vreg.gather [hbm4b:s1+s3], $0x80, v3, vm0, $0xb8;
	[tilespmem:$0x10200] =	vst v63  }
0x83: {  	v3 =	vld [tilespmem:$0xA0];
	_ =	sdelay $0x4  }
0x84: {  	v42 =	vshll.u32 v3, $0x1  }
0x85: {  	v3 =	vand.u32 $0x7, v3;
	v4 =	vand.u32 $0xFFFFFFF0, v42  }
0x86: {  	v3 =	vor.u32 v3, v4  }
0x87: {  	v4 =	vperm.xlane v3, v0;
	_ =	sdelay $0x1  }
0x88: {  	v3 =	vperm.xlane v3, v2;
	v4 =	vadd.s32 v1, v4;
	_ =	sdelay $0x1  }
0x89: {  	v3 =	vadd.s32 v1, v3;
	_ =	sdelay $0x2  }
0x8a: {  	[tilespmem:s9], [sflag:$0x1] =	stream.indirect_vreg.gather [hbm4b:s1+s3], $0x80, v4, vm0, $0xb8;
	[tilespmem:$0x10200] =	vst v63  }
0x8b: {  	_ = 	snop  }
0x8c: {  	[tilespmem:s10], [sflag:$0x1] =	stream.indirect_vreg.gather [hbm4b:s1+s3], $0x80, v3, vm0, $0xb8;
	[tilespmem:$0x10200] =	vst v63  }
0x8d: {  	v3 =	vld [tilespmem:$0xB0];
	_ =	sdelay $0x4  }
0x8e: {  	v43 =	vshll.u32 v3, $0x1  }
0x8f: {  	v3 =	vand.u32 $0x7, v3;
	v4 =	vand.u32 $0xFFFFFFF0, v43  }
0x90: {  	v3 =	vor.u32 v3, v4  }
0x91: {  	v4 =	vperm.xlane v3, v0;
	_ =	sdelay $0x1  }
0x92: {  	v3 =	vperm.xlane v3, v2;
	v4 =	vadd.s32 v1, v4;
	_ =	sdelay $0x1  }
0x93: {  	v3 =	vadd.s32 v1, v3;
	_ =	sdelay $0x2  }
0x94: {  	[tilespmem:s11], [sflag:$0x1] =	stream.indirect_vreg.gather [hbm4b:s1+s3], $0x80, v4, vm0, $0xb8;
	[tilespmem:$0x10200] =	vst v63  }
0x95: {  	_ = 	snop  }
0x96: {  	[tilespmem:s12], [sflag:$0x1] =	stream.indirect_vreg.gather [hbm4b:s1+s3], $0x80, v3, vm0, $0xb8;
	[tilespmem:$0x10200] =	vst v63  }
0x97: {  	v3 =	vld [tilespmem:$0xC0];
	_ =	sdelay $0x4  }
0x98: {  	v44 =	vshll.u32 v3, $0x1  }
0x99: {  	v3 =	vand.u32 $0x7, v3;
	v4 =	vand.u32 $0xFFFFFFF0, v44  }
0x9a: {  	v3 =	vor.u32 v3, v4  }
0x9b: {  	v4 =	vperm.xlane v3, v0;
	_ =	sdelay $0x1  }
0x9c: {  	v3 =	vperm.xlane v3, v2;
	v4 =	vadd.s32 v1, v4;
	_ =	sdelay $0x1  }
0x9d: {  	v3 =	vadd.s32 v1, v3;
	_ =	sdelay $0x1  }
0x9e: {  	s5 =	simm.s32 $0xC200  }
0x9f: {  	[tilespmem:s5], [sflag:$0x1] =	stream.indirect_vreg.gather [hbm4b:s1+s3], $0x80, v4, vm0, $0xb8;
	[tilespmem:$0x10200] =	vst v63  }
0xa0: {  	_ = 	snop  }
0xa1: {  	[tilespmem:s6], [sflag:$0x1] =	stream.indirect_vreg.gather [hbm4b:s1+s3], $0x80, v3, vm0, $0xb8;
	[tilespmem:$0x10200] =	vst v63  }
0xa2: {  	v3 =	vld [tilespmem:$0xD0];
	_ =	sdelay $0x4  }
0xa3: {  	v45 =	vshll.u32 v3, $0x1  }
0xa4: {  	v3 =	vand.u32 $0x7, v3;
	v4 =	vand.u32 $0xFFFFFFF0, v45  }
0xa5: {  	v3 =	vor.u32 v3, v4  }
0xa6: {  	v4 =	vperm.xlane v3, v0;
	_ =	sdelay $0x1  }
0xa7: {  	v3 =	vperm.xlane v3, v2;
	v4 =	vadd.s32 v1, v4;
	_ =	sdelay $0x1  }
0xa8: {  	v3 =	vadd.s32 v1, v3;
	_ =	sdelay $0x1  }
0xa9: {  	s14 =	simm.s32 $0xD200  }
0xaa: {  	[tilespmem:s14], [sflag:$0x1] =	stream.indirect_vreg.gather [hbm4b:s1+s3], $0x80, v4, vm0, $0xb8;
	[tilespmem:$0x10200] =	vst v63  }
0xab: {  	s14 =	simm.s32 $0xDA00  }
0xac: {  	[tilespmem:s14], [sflag:$0x1] =	stream.indirect_vreg.gather [hbm4b:s1+s3], $0x80, v3, vm0, $0xb8;
	[tilespmem:$0x10200] =	vst v63  }
0xad: {  	v3 =	vld [tilespmem:$0xE0];
	_ =	sdelay $0x4  }
0xae: {  	v46 =	vshll.u32 v3, $0x1  }
0xaf: {  	v3 =	vand.u32 $0x7, v3;
	v4 =	vand.u32 $0xFFFFFFF0, v46  }
0xb0: {  	v3 =	vor.u32 v3, v4  }
0xb1: {  	v4 =	vperm.xlane v3, v0;
	_ =	sdelay $0x1  }
0xb2: {  	v3 =	vperm.xlane v3, v2;
	v4 =	vadd.s32 v1, v4;
	_ =	sdelay $0x1  }
0xb3: {  	v3 =	vadd.s32 v1, v3;
	_ =	sdelay $0x1  }
0xb4: {  	s14 =	simm.s32 $0xE200  }
0xb5: {  	[tilespmem:s14], [sflag:$0x1] =	stream.indirect_vreg.gather [hbm4b:s1+s3], $0x80, v4, vm0, $0xb8;
	[tilespmem:$0x10200] =	vst v63  }
0xb6: {  	s14 =	simm.s32 $0xEA00  }
0xb7: {  	[tilespmem:s14], [sflag:$0x1] =	stream.indirect_vreg.gather [hbm4b:s1+s3], $0x80, v3, vm0, $0xb8;
	[tilespmem:$0x10200] =	vst v63  }
0xb8: {  	v3 =	vld [tilespmem:$0xF0];
	_ =	sdelay $0x4  }
0xb9: {  	v47 =	vshll.u32 v3, $0x1  }
0xba: {  	v3 =	vand.u32 $0x7, v3;
	v4 =	vand.u32 $0xFFFFFFF0, v47  }
0xbb: {  	v3 =	vor.u32 v3, v4  }
0xbc: {  	v4 =	vperm.xlane v3, v0;
	_ =	sdelay $0x1  }
0xbd: {  	v3 =	vperm.xlane v3, v2;
	v4 =	vadd.s32 v1, v4;
	_ =	sdelay $0x1  }
0xbe: {  	v3 =	vadd.s32 v1, v3;
	_ =	sdelay $0x1  }
0xbf: {  	s14 =	simm.s32 $0xF200  }
0xc0: {  	[tilespmem:s14], [sflag:$0x1] =	stream.indirect_vreg.gather [hbm4b:s1+s3], $0x80, v4, vm0, $0xb8;
	[tilespmem:$0x10200] =	vst v63  }
0xc1: {  	s14 =	simm.s32 $0xFA00  }
0xc2: {  	[tilespmem:s14], [sflag:$0x1] =	stream.indirect_vreg.gather [hbm4b:s1+s3], $0x80, v3, vm0, $0xb8;
	[tilespmem:$0x10200] =	vst v63  }
0xc3: {  	_ =	swait.ge [sflag:s22], $0x8000  }
0xc4: {  	[sflag:s22] =	ssyncset.done $0x0  }
0xc5: {  	s14 =	rddreg [dreg:$0x6];
	[sflag:s22] =	ssyncadd.s32 $0xFFFF8000  }
0xc6: {  	[hbm4b:s14+s3] =	stream.linear.scatter [tilespmem:s0], [sflag:$0x2], $0x8000, $0x38;
	[tilespmem:$0x10200] =	vst v63  }
0xc7: {  	_ =	swait.ge [sflag:s13], $0x8000  }
0xc8: {  	[sflag:s13] =	ssyncset.done $0x0  }
0xc9: {  	[sflag:s13] =	ssyncadd.s32 $0xFFFF8000  }
0xca: {  	v3 =	vld [tilespmem:$0x100];
	_ =	sdelay $0x4  }
0xcb: {  	v48 =	vshll.u32 v3, $0x1  }
0xcc: {  	v3 =	vand.u32 $0x7, v3;
	v4 =	vand.u32 $0xFFFFFFF0, v48  }
0xcd: {  	v3 =	vor.u32 v3, v4  }
0xce: {  	v4 =	vperm.xlane v3, v0;
	_ =	sdelay $0x1  }
0xcf: {  	v3 =	vperm.xlane v3, v2;
	v4 =	vadd.s32 v1, v4;
	_ =	sdelay $0x1  }
0xd0: {  	v3 =	vadd.s32 v1, v3;
	_ =	sdelay $0x2  }
0xd1: {  	[tilespmem:s23], [sflag:$0x1] =	stream.indirect_vreg.gather [hbm4b:s1+s3], $0x80, v4, vm0, $0xb8;
	[tilespmem:$0x10200] =	vst v63  }
0xd2: {  	_ = 	snop  }
0xd3: {  	[tilespmem:s15], [sflag:$0x1] =	stream.indirect_vreg.gather [hbm4b:s1+s3], $0x80, v3, vm0, $0xb8;
	[tilespmem:$0x10200] =	vst v63  }
0xd4: {  	v3 =	vld [tilespmem:$0x110];
	_ =	sdelay $0x4  }
0xd5: {  	v49 =	vshll.u32 v3, $0x1  }
0xd6: {  	v3 =	vand.u32 $0x7, v3;
	v4 =	vand.u32 $0xFFFFFFF0, v49  }
0xd7: {  	v3 =	vor.u32 v3, v4  }
0xd8: {  	v4 =	vperm.xlane v3, v0;
	_ =	sdelay $0x1  }
0xd9: {  	v3 =	vperm.xlane v3, v2;
	v4 =	vadd.s32 v1, v4;
	_ =	sdelay $0x1  }
0xda: {  	v3 =	vadd.s32 v1, v3;
	_ =	sdelay $0x2  }
0xdb: {  	[tilespmem:s16], [sflag:$0x1] =	stream.indirect_vreg.gather [hbm4b:s1+s3], $0x80, v4, vm0, $0xb8;
	[tilespmem:$0x10200] =	vst v63  }
0xdc: {  	_ = 	snop  }
0xdd: {  	[tilespmem:s17], [sflag:$0x1] =	stream.indirect_vreg.gather [hbm4b:s1+s3], $0x80, v3, vm0, $0xb8;
	[tilespmem:$0x10200] =	vst v63  }
0xde: {  	v3 =	vld [tilespmem:$0x120];
	_ =	sdelay $0x4  }
0xdf: {  	v50 =	vshll.u32 v3, $0x1  }
0xe0: {  	v3 =	vand.u32 $0x7, v3;
	v4 =	vand.u32 $0xFFFFFFF0, v50  }
0xe1: {  	v3 =	vor.u32 v3, v4  }
0xe2: {  	v4 =	vperm.xlane v3, v0;
	_ =	sdelay $0x1  }
0xe3: {  	v3 =	vperm.xlane v3, v2;
	v4 =	vadd.s32 v1, v4;
	_ =	sdelay $0x1  }
0xe4: {  	v3 =	vadd.s32 v1, v3;
	_ =	sdelay $0x2  }
0xe5: {  	[tilespmem:s18], [sflag:$0x1] =	stream.indirect_vreg.gather [hbm4b:s1+s3], $0x80, v4, vm0, $0xb8;
	[tilespmem:$0x10200] =	vst v63  }
0xe6: {  	_ = 	snop  }
0xe7: {  	[tilespmem:s19], [sflag:$0x1] =	stream.indirect_vreg.gather [hbm4b:s1+s3], $0x80, v3, vm0, $0xb8;
	[tilespmem:$0x10200] =	vst v63  }
0xe8: {  	v3 =	vld [tilespmem:$0x130];
	_ =	sdelay $0x4  }
0xe9: {  	v51 =	vshll.u32 v3, $0x1  }
0xea: {  	v3 =	vand.u32 $0x7, v3;
	v4 =	vand.u32 $0xFFFFFFF0, v51  }
0xeb: {  	v3 =	vor.u32 v3, v4  }
0xec: {  	v4 =	vperm.xlane v3, v0;
	_ =	sdelay $0x1  }
0xed: {  	v3 =	vperm.xlane v3, v2;
	v4 =	vadd.s32 v1, v4;
	_ =	sdelay $0x1  }
0xee: {  	v3 =	vadd.s32 v1, v3;
	_ =	sdelay $0x2  }
0xef: {  	[tilespmem:s20], [sflag:$0x1] =	stream.indirect_vreg.gather [hbm4b:s1+s3], $0x80, v4, vm0, $0xb8;
	[tilespmem:$0x10200] =	vst v63  }
0xf0: {  	_ = 	snop  }
0xf1: {  	[tilespmem:s21], [sflag:$0x1] =	stream.indirect_vreg.gather [hbm4b:s1+s3], $0x80, v3, vm0, $0xb8;
	[tilespmem:$0x10200] =	vst v63  }
0xf2: {  	v3 =	vld [tilespmem:$0x140];
	_ =	sdelay $0x4  }
0xf3: {  	v52 =	vshll.u32 v3, $0x1  }
0xf4: {  	v3 =	vand.u32 $0x7, v3;
	v4 =	vand.u32 $0xFFFFFFF0, v52  }
0xf5: {  	v3 =	vor.u32 v3, v4  }
0xf6: {  	v4 =	vperm.xlane v3, v0;
	_ =	sdelay $0x1  }
0xf7: {  	v3 =	vperm.xlane v3, v2;
	v4 =	vadd.s32 v1, v4;
	_ =	sdelay $0x1  }
0xf8: {  	v3 =	vadd.s32 v1, v3;
	_ =	sdelay $0x2  }
0xf9: {  	[tilespmem:s24], [sflag:$0x1] =	stream.indirect_vreg.gather [hbm4b:s1+s3], $0x80, v4, vm0, $0xb8;
	[tilespmem:$0x10200] =	vst v63  }
0xfa: {  	_ = 	snop  }
0xfb: {  	[tilespmem:s25], [sflag:$0x1] =	stream.indirect_vreg.gather [hbm4b:s1+s3], $0x80, v3, vm0, $0xb8;
	[tilespmem:$0x10200] =	vst v63  }
0xfc: {  	v3 =	vld [tilespmem:$0x150];
	_ =	sdelay $0x4  }
0xfd: {  	v53 =	vshll.u32 v3, $0x1  }
0xfe: {  	v3 =	vand.u32 $0x7, v3;
	v4 =	vand.u32 $0xFFFFFFF0, v53  }
0xff: {  	v3 =	vor.u32 v3, v4  }
0x100: {  	v4 =	vperm.xlane v3, v0;
	_ =	sdelay $0x1  }
0x101: {  	v3 =	vperm.xlane v3, v2;
	v4 =	vadd.s32 v1, v4;
	_ =	sdelay $0x1  }
0x102: {  	v3 =	vadd.s32 v1, v3;
	_ =	sdelay $0x2  }
0x103: {  	[tilespmem:s26], [sflag:$0x1] =	stream.indirect_vreg.gather [hbm4b:s1+s3], $0x80, v4, vm0, $0xb8;
	[tilespmem:$0x10200] =	vst v63  }
0x104: {  	_ = 	snop  }
0x105: {  	[tilespmem:s28], [sflag:$0x1] =	stream.indirect_vreg.gather [hbm4b:s1+s3], $0x80, v3, vm0, $0xb8;
	[tilespmem:$0x10200] =	vst v63  }
0x106: {  	v3 =	vld [tilespmem:$0x160];
	_ =	sdelay $0x4  }
0x107: {  	v54 =	vshll.u32 v3, $0x1  }
0x108: {  	v3 =	vand.u32 $0x7, v3;
	v4 =	vand.u32 $0xFFFFFFF0, v54  }
0x109: {  	v3 =	vor.u32 v3, v4  }
0x10a: {  	v4 =	vperm.xlane v3, v0;
	_ =	sdelay $0x1  }
0x10b: {  	v3 =	vperm.xlane v3, v2;
	v4 =	vadd.s32 v1, v4;
	_ =	sdelay $0x1  }
0x10c: {  	v3 =	vadd.s32 v1, v3;
	_ =	sdelay $0x2  }
0x10d: {  	[tilespmem:s29], [sflag:$0x1] =	stream.indirect_vreg.gather [hbm4b:s1+s3], $0x80, v4, vm0, $0xb8;
	[tilespmem:$0x10200] =	vst v63  }
0x10e: {  	_ = 	snop  }
0x10f: {  	[tilespmem:s30], [sflag:$0x1] =	stream.indirect_vreg.gather [hbm4b:s1+s3], $0x80, v3, vm0, $0xb8;
	[tilespmem:$0x10200] =	vst v63  }
0x110: {  	v3 =	vld [tilespmem:$0x170];
	_ =	sdelay $0x4  }
0x111: {  	v55 =	vshll.u32 v3, $0x1  }
0x112: {  	v3 =	vand.u32 $0x7, v3;
	v4 =	vand.u32 $0xFFFFFFF0, v55  }
0x113: {  	v3 =	vor.u32 v3, v4  }
0x114: {  	v4 =	vperm.xlane v3, v0;
	_ =	sdelay $0x1  }
0x115: {  	v3 =	vperm.xlane v3, v2;
	v4 =	vadd.s32 v1, v4;
	_ =	sdelay $0x1  }
0x116: {  	v3 =	vadd.s32 v1, v3;
	_ =	sdelay $0x2  }
0x117: {  	[tilespmem:s31], [sflag:$0x1] =	stream.indirect_vreg.gather [hbm4b:s1+s3], $0x80, v4, vm0, $0xb8;
	[tilespmem:$0x10200] =	vst v63  }
0x118: {  	_ = 	snop  }
0x119: {  	[tilespmem:s2], [sflag:$0x1] =	stream.indirect_vreg.gather [hbm4b:s1+s3], $0x80, v3, vm0, $0xb8;
	[tilespmem:$0x10200] =	vst v63  }
0x11a: {  	_ =	swait.ge [sflag:s22], $0x8000  }
0x11b: {  	[sflag:s22] =	ssyncset.done $0x0  }
0x11c: {  	s2 =	rddreg [dreg:$0x7];
	[sflag:s22] =	ssyncadd.s32 $0xFFFF8000  }
0x11d: {  	[hbm4b:s2+s3] =	stream.linear.scatter [tilespmem:s23], [sflag:$0x2], $0x8000, $0x38;
	[tilespmem:$0x10200] =	vst v63  }
0x11e: {  	_ =	swait.ge [sflag:s13], $0x8000  }
0x11f: {  	[sflag:s13] =	ssyncset.done $0x0  }
0x120: {  	[sflag:s13] =	ssyncadd.s32 $0xFFFF8000  }
0x121: {  	v3 =	vld [tilespmem:$0x180];
	_ =	sdelay $0x4  }
0x122: {  	v56 =	vshll.u32 v3, $0x1  }
0x123: {  	v3 =	vand.u32 $0x7, v3;
	v4 =	vand.u32 $0xFFFFFFF0, v56  }
0x124: {  	v3 =	vor.u32 v3, v4  }
0x125: {  	v4 =	vperm.xlane v3, v0;
	_ =	sdelay $0x1  }
0x126: {  	v3 =	vperm.xlane v3, v2;
	v4 =	vadd.s32 v1, v4;
	_ =	sdelay $0x1  }
0x127: {  	v3 =	vadd.s32 v1, v3;
	_ =	sdelay $0x2  }
0x128: {  	[tilespmem:s0], [sflag:$0x1] =	stream.indirect_vreg.gather [hbm4b:s1+s3], $0x80, v4, vm0, $0xb8;
	[tilespmem:$0x10200] =	vst v63  }
0x129: {  	s14 =	simm.s32 $0x8A00  }
0x12a: {  	[tilespmem:s14], [sflag:$0x1] =	stream.indirect_vreg.gather [hbm4b:s1+s3], $0x80, v3, vm0, $0xb8;
	[tilespmem:$0x10200] =	vst v63  }
0x12b: {  	v3 =	vld [tilespmem:$0x190];
	_ =	sdelay $0x4  }
0x12c: {  	v57 =	vshll.u32 v3, $0x1  }
0x12d: {  	v3 =	vand.u32 $0x7, v3;
	v4 =	vand.u32 $0xFFFFFFF0, v57  }
0x12e: {  	v3 =	vor.u32 v3, v4  }
0x12f: {  	v4 =	vperm.xlane v3, v0;
	_ =	sdelay $0x1  }
0x130: {  	v3 =	vperm.xlane v3, v2;
	v4 =	vadd.s32 v1, v4;
	_ =	sdelay $0x1  }
0x131: {  	v3 =	vadd.s32 v1, v3;
	_ =	sdelay $0x2  }
0x132: {  	[tilespmem:s7], [sflag:$0x1] =	stream.indirect_vreg.gather [hbm4b:s1+s3], $0x80, v4, vm0, $0xb8;
	[tilespmem:$0x10200] =	vst v63  }
0x133: {  	_ = 	snop  }
0x134: {  	[tilespmem:s8], [sflag:$0x1] =	stream.indirect_vreg.gather [hbm4b:s1+s3], $0x80, v3, vm0, $0xb8;
	[tilespmem:$0x10200] =	vst v63  }
0x135: {  	v3 =	vld [tilespmem:$0x1A0];
	_ =	sdelay $0x4  }
0x136: {  	v58 =	vshll.u32 v3, $0x1  }
0x137: {  	v3 =	vand.u32 $0x7, v3;
	v4 =	vand.u32 $0xFFFFFFF0, v58  }
0x138: {  	v3 =	vor.u32 v3, v4  }
0x139: {  	v4 =	vperm.xlane v3, v0;
	_ =	sdelay $0x1  }
0x13a: {  	v3 =	vperm.xlane v3, v2;
	v4 =	vadd.s32 v1, v4;
	_ =	sdelay $0x1  }
0x13b: {  	v3 =	vadd.s32 v1, v3;
	_ =	sdelay $0x2  }
0x13c: {  	[tilespmem:s9], [sflag:$0x1] =	stream.indirect_vreg.gather [hbm4b:s1+s3], $0x80, v4, vm0, $0xb8;
	[tilespmem:$0x10200] =	vst v63  }
0x13d: {  	_ = 	snop  }
0x13e: {  	[tilespmem:s10], [sflag:$0x1] =	stream.indirect_vreg.gather [hbm4b:s1+s3], $0x80, v3, vm0, $0xb8;
	[tilespmem:$0x10200] =	vst v63  }
0x13f: {  	v3 =	vld [tilespmem:$0x1B0];
	_ =	sdelay $0x4  }
0x140: {  	v59 =	vshll.u32 v3, $0x1  }
0x141: {  	v3 =	vand.u32 $0x7, v3;
	v4 =	vand.u32 $0xFFFFFFF0, v59  }
0x142: {  	v3 =	vor.u32 v3, v4  }
0x143: {  	v4 =	vperm.xlane v3, v0;
	_ =	sdelay $0x1  }
0x144: {  	v3 =	vperm.xlane v3, v2;
	v4 =	vadd.s32 v1, v4;
	_ =	sdelay $0x1  }
0x145: {  	v3 =	vadd.s32 v1, v3;
	_ =	sdelay $0x2  }
0x146: {  	[tilespmem:s11], [sflag:$0x1] =	stream.indirect_vreg.gather [hbm4b:s1+s3], $0x80, v4, vm0, $0xb8;
	[tilespmem:$0x10200] =	vst v63  }
0x147: {  	_ = 	snop  }
0x148: {  	[tilespmem:s12], [sflag:$0x1] =	stream.indirect_vreg.gather [hbm4b:s1+s3], $0x80, v3, vm0, $0xb8;
	[tilespmem:$0x10200] =	vst v63  }
0x149: {  	v3 =	vld [tilespmem:$0x1C0];
	_ =	sdelay $0x4  }
0x14a: {  	v60 =	vshll.u32 v3, $0x1  }
0x14b: {  	v3 =	vand.u32 $0x7, v3;
	v4 =	vand.u32 $0xFFFFFFF0, v60  }
0x14c: {  	v3 =	vor.u32 v3, v4  }
0x14d: {  	v4 =	vperm.xlane v3, v0;
	_ =	sdelay $0x1  }
0x14e: {  	v3 =	vperm.xlane v3, v2;
	v4 =	vadd.s32 v1, v4;
	_ =	sdelay $0x1  }
0x14f: {  	v3 =	vadd.s32 v1, v3;
	_ =	sdelay $0x2  }
0x150: {  	[tilespmem:s5], [sflag:$0x1] =	stream.indirect_vreg.gather [hbm4b:s1+s3], $0x80, v4, vm0, $0xb8;
	[tilespmem:$0x10200] =	vst v63  }
0x151: {  	_ = 	snop  }
0x152: {  	[tilespmem:s6], [sflag:$0x1] =	stream.indirect_vreg.gather [hbm4b:s1+s3], $0x80, v3, vm0, $0xb8;
	[tilespmem:$0x10200] =	vst v63  }
0x153: {  	v3 =	vld [tilespmem:$0x1D0];
	_ =	sdelay $0x4  }
0x154: {  	v61 =	vshll.u32 v3, $0x1  }
0x155: {  	v3 =	vand.u32 $0x7, v3;
	v4 =	vand.u32 $0xFFFFFFF0, v61  }
0x156: {  	v3 =	vor.u32 v3, v4  }
0x157: {  	v4 =	vperm.xlane v3, v0;
	_ =	sdelay $0x1  }
0x158: {  	v3 =	vperm.xlane v3, v2;
	v4 =	vadd.s32 v1, v4;
	_ =	sdelay $0x1  }
0x159: {  	v3 =	vadd.s32 v1, v3;
	_ =	sdelay $0x1  }
0x15a: {  	s5 =	simm.s32 $0xD200  }
0x15b: {  	[tilespmem:s5], [sflag:$0x1] =	stream.indirect_vreg.gather [hbm4b:s1+s3], $0x80, v4, vm0, $0xb8;
	[tilespmem:$0x10200] =	vst v63  }
0x15c: {  	s14 =	simm.s32 $0xDA00  }
0x15d: {  	[tilespmem:s14], [sflag:$0x1] =	stream.indirect_vreg.gather [hbm4b:s1+s3], $0x80, v3, vm0, $0xb8;
	[tilespmem:$0x10200] =	vst v63  }
0x15e: {  	v3 =	vld [tilespmem:$0x1E0];
	_ =	sdelay $0x4  }
0x15f: {  	v62 =	vshll.u32 v3, $0x1  }
0x160: {  	v3 =	vand.u32 $0x7, v3;
	v4 =	vand.u32 $0xFFFFFFF0, v62  }
0x161: {  	v3 =	vor.u32 v3, v4  }
0x162: {  	v4 =	vperm.xlane v3, v0;
	_ =	sdelay $0x1  }
0x163: {  	v3 =	vperm.xlane v3, v2;
	v4 =	vadd.s32 v1, v4;
	_ =	sdelay $0x1  }
0x164: {  	v3 =	vadd.s32 v1, v3;
	_ =	sdelay $0x1  }
0x165: {  	s5 =	simm.s32 $0xE200  }
0x166: {  	[tilespmem:s5], [sflag:$0x1] =	stream.indirect_vreg.gather [hbm4b:s1+s3], $0x80, v4, vm0, $0xb8;
	[tilespmem:$0x10200] =	vst v63  }
0x167: {  	s14 =	simm.s32 $0xEA00  }
0x168: {  	[tilespmem:s14], [sflag:$0x1] =	stream.indirect_vreg.gather [hbm4b:s1+s3], $0x80, v3, vm0, $0xb8;
	[tilespmem:$0x10200] =	vst v63  }
0x169: {  	v3 =	vld [tilespmem:$0x1F0];
	_ =	sdelay $0x4  }
0x16a: {  	v63 =	vshll.u32 v3, $0x1  }
0x16b: {  	v3 =	vand.u32 $0x7, v3;
	v4 =	vand.u32 $0xFFFFFFF0, v63  }
0x16c: {  	v3 =	vor.u32 v3, v4  }
0x16d: {  	v4 =	vperm.xlane v3, v0;
	_ =	sdelay $0x1  }
0x16e: {  	v3 =	vperm.xlane v3, v2;
	v4 =	vadd.s32 v1, v4;
	_ =	sdelay $0x1  }
0x16f: {  	v3 =	vadd.s32 v1, v3;
	_ =	sdelay $0x1  }
0x170: {  	s5 =	simm.s32 $0xF200  }
0x171: {  	[tilespmem:s5], [sflag:$0x1] =	stream.indirect_vreg.gather [hbm4b:s1+s3], $0x80, v4, vm0, $0xb8;
	[tilespmem:$0x10200] =	vst v63  }
0x172: {  	s14 =	simm.s32 $0xFA00  }
0x173: {  	[tilespmem:s14], [sflag:$0x1] =	stream.indirect_vreg.gather [hbm4b:s1+s3], $0x80, v3, vm0, $0xb8;
	[tilespmem:$0x10200] =	vst v63  }
0x174: {  	_ =	swait.ge [sflag:s22], $0x8000  }
0x175: {  	[sflag:s22] =	ssyncset.done $0x0  }
0x176: {  	s5 =	rddreg [dreg:$0x8];
	[sflag:s22] =	ssyncadd.s32 $0xFFFF8000  }
0x177: {  	[hbm4b:s5+s3] =	stream.linear.scatter [tilespmem:s0], [sflag:$0x2], $0x8000, $0x38;
	[tilespmem:$0x10200] =	vst v63  }
0x178: {  	p0 =	sne.s32 s4, $0x1;
	_ =	swait.ge [sflag:s13], $0x8000  }
.Ltmp0:
0x179: {  	[sflag:s13] =	ssyncset.done $0x0;
	(pc) =	sbr.rel @p0 .LBB2_1-.Ltmp0, $4  }
0x17a: {  	[sflag:s13] =	ssyncadd.s32 $0xFFFF8000  }
0x17b: {  	_ =	swait.ge [sflag:s13], $0x8000  }
0x17c: {  	[sflag:s13] =	ssyncset.done $0x0  }
0x17d: {  	s4 =	sadd.s32 $0xFFFFFFFF, s4;
	[sflag:s13] =	ssyncadd.s32 $0xFFFF8000  }
0x17e: {  	_ =	sfence.sel $0x180000  }
0x17f: {  	[bflag:$0x0] =	sbarrier.arrive $0xFFFF  }
0x180: {  	_ =	strace $0x90000047  }
0x181: {  	s0 =	stileid.u32;
	[bflag:$0x2] =	sbarrier.arrive $0xFFFF  }
0x182: {  	p0 =	sne.s32 s0, $0x0;
	s0 =	rddreg [dreg:$0x3]  }
0x183: {  	s0 =	sadd.s32 @!p0 $0x100000, s0  }
0x184: {  	[sflag:s0] =	ssyncadd.tile.s32 @!p0 $0x1;
	_ =	shalt  }
.Lfunc_end2:
_tile_overlayer_lowered:
.L_overlay_start_2:
0x185: {  	(tag) =	ssettag $0x2  }
0x186: {  	s0 =	rddreg [dreg:$0x0];
	s2 =	stileid.u32  }
0x187: {  	s1 =	rddreg [dreg:$0x1];
	p0 =	sne.s32 s2, $0x0  }
0x188: {  	s3 =	rddreg [dreg:$0x2];
	[bflag:$0x3] =	sbarrier.arrive $0xFFFF;
	s2 =	simm.s32 @!p0 $0x1C03  }
0x189: {  	[timem:s3], [sflag:s2] =	dma.local @!p0 [hbm:s0], s1  }
0x18a: {  	s0 =	simm.s32 @!p0 $0x3  }
0x18b: {  	_ =	swait.ge @!p0 [sflag:s0], s1  }
0x18c: {  	s1 =	ssub.s32 @!p0 $0x0, s1;
	[sflag:s0] =	ssyncset.done @!p0 $0x0  }
0x18d: {  	[sflag:s0] =	ssyncadd.s32 @!p0 s1  }
0x18e: {  	[bflag:$0x3] =	sbarrier.arrive $0xFFFF  }
0x18f: {  	_ =	shalt  }

</sc_bundles>
